<compile_context>
chip_gen: v7x
topology: tpu7x:2x2x1
jax: 0.10.2.dev20260603
libtpu: 0.0.44.dev20260713+nightly
codegen_flags: <defaults>
</compile_context>

<pallas_src>
import functools

import jax
import jax.numpy as jnp
from jax import lax
from jax.experimental import pallas as pl
from jax.experimental.pallas import tpu as pltpu
from jax.experimental.pallas import tpu_sc as plsc

_N = 10000
_E = 320000
_G = 64
_EPS = 1e-5

_NC = 2
_NS = 16
_NW = _NC * _NS
_NPAD = 10240
_EW = _E // _NW
_CH = 80
_NCHUNK = _EW // _CH
_RPT = _NPAD // _NS


def _mesh():
    return plsc.VectorSubcoreMesh(core_axis_name="c", subcore_axis_name="s",
                                  num_cores=_NC, num_subcores=_NS)


_FK = 25


@functools.lru_cache(maxsize=None)
def _make_sc_deg():
    @functools.partial(
        pl.kernel,
        out_type=jax.ShapeDtypeStruct((_NW, _NPAD), jnp.float32),
        mesh=_mesh(),
        compiler_params=pltpu.CompilerParams(needs_layout_passes=False),
        scratch_types=[
            pltpu.VMEM((_EW,), jnp.int32),
            pltpu.VMEM((_NPAD,), jnp.float32),
        ],
    )
    def deg(dsti, out, didx, hist):
        c = lax.axis_index("c")
        s = lax.axis_index("s")
        wid = s * _NC + c
        pltpu.sync_copy(dsti.at[pl.ds(wid * _EW, _EW)], didx)

        def zero(i, carry):
            hist[pl.ds(i * 16, 16)] = jnp.zeros((16,), jnp.float32)
            return carry

        lax.fori_loop(0, _NPAD // 16, zero, 0)
        ones16 = jnp.ones((16,), jnp.float32)

        def scat(i, carry):
            idxv = didx[pl.ds(i * 16, 16)]
            plsc.addupdate_scatter(hist, [idxv], ones16)
            return carry

        lax.fori_loop(0, _EW // 16, scat, 0)
        pltpu.sync_copy(hist, out.at[wid])

    return deg


_NB = 4
_NG = _NCHUNK // _NB
_NTAIL = _NCHUNK - _NG * _NB


@functools.lru_cache(maxsize=None)
def _make_sc_agg(D, tc_tiling=True):
    params = None if tc_tiling else pltpu.CompilerParams(
        use_tc_tiling_on_sc=False)
    @functools.partial(
        pl.kernel,
        out_type=jax.ShapeDtypeStruct((_NC, _NPAD, D), jnp.float32),
        mesh=_mesh(),
        compiler_params=params,
        scratch_types=(
            [pltpu.VMEM((2, _CH), jnp.int32)] * _NB
            + [pltpu.VMEM((_CH, D), jnp.float32)] * _NB
            + [pltpu.VMEM_SHARED((_NPAD, D), jnp.float32)]
            + [pltpu.SemaphoreType.DMA] * (2 * _NB)
        ),
    )
    def agg(hs, sdp, zeros_hbm, out, *refs):
        sdbufs = refs[:_NB]
        rowss = refs[_NB:2 * _NB]
        acc = refs[2 * _NB]
        sems = refs[2 * _NB + 1:2 * _NB + 1 + _NB]
        ssems = refs[2 * _NB + 1 + _NB:]
        c = lax.axis_index("c")
        s = lax.axis_index("s")
        wid = s * _NC + c
        pltpu.sync_copy(zeros_hbm, acc.at[pl.ds(s * _RPT, _RPT)])
        plsc.subcore_barrier()

        def chunk_idx(b, i):
            pltpu.sync_copy(sdp.at[wid, i], sdbufs[b])

        def group(g, carry):
            descs = []
            for b in range(_NB):
                chunk_idx(b, g * _NB + b)
                descs.append(pltpu.async_copy(hs.at[sdbufs[b].at[0]],
                                              rowss[b], sems[b]))
            sdescs = []
            for b in range(_NB):
                descs[b].wait()
                sdescs.append(pltpu.async_copy(rowss[b],
                                               acc.at[sdbufs[b].at[1]],
                                               ssems[b], add=True))
            for b in range(_NB):
                sdescs[b].wait()
            return carry

        lax.fori_loop(0, _NG, group, 0)
        for t in range(_NTAIL):
            chunk_idx(0, _NG * _NB + t)
            pltpu.async_copy(hs.at[sdbufs[0].at[0]], rowss[0], sems[0]).wait()
            pltpu.sync_copy(rowss[0], acc.at[sdbufs[0].at[1]], add=True)
        plsc.subcore_barrier()
        pltpu.sync_copy(acc.at[pl.ds(s * _RPT, _RPT)],
                        out.at[c, pl.ds(s * _RPT, _RPT)])

    return jax.jit(agg)


def _dinv_from(degT_ref):
    deg = jnp.sum(degT_ref[0:_N, :], axis=1, keepdims=True) + 1.0
    return lax.rsqrt(deg)


def _tc_a_body(x_ref, w1_ref, degT_ref, hs1_ref):
    dinv = _dinv_from(degT_ref)
    h = jnp.dot(x_ref[...], w1_ref[...], preferred_element_type=jnp.float32,
                precision=lax.Precision.HIGHEST)
    hs1_ref[...] = h * dinv


def _tc_b_body(agg_ref, hs1_ref, degT_ref, b1_ref, g1_ref, be1_ref, w2_ref,
               hs2_ref):
    dinv = _dinv_from(degT_ref)
    aggsum = agg_ref[0, 0:_N, :] + agg_ref[1, 0:_N, :]
    t = dinv * (aggsum + hs1_ref[...]) + b1_ref[...]
    mu = jnp.mean(t, axis=0, keepdims=True)
    var = jnp.mean((t - mu) ** 2, axis=0, keepdims=True)
    tn = g1_ref[...] * (t - mu) * lax.rsqrt(var + _EPS) + be1_ref[...]
    h = jnp.maximum(tn, 0.0)
    h2 = jnp.dot(h, w2_ref[...], preferred_element_type=jnp.float32,
                 precision=lax.Precision.HIGHEST)
    hs2_ref[...] = jnp.concatenate(
        [h2 * dinv, jnp.zeros((_N, 64), jnp.float32)], axis=1)


def _tc_c_body(agg_ref, hs2_ref, degT_ref, b2_ref, g2_ref, be2_ref,
               bcol_ref, blane_ref, G1_ref, gb1_ref, G2_ref, gb2_ref,
               C1_ref, cb1_ref, C2_ref, cb2_ref, out_ref):
    dinv = _dinv_from(degT_ref)
    aggsum = agg_ref[0, 0:_N, 0:64] + agg_ref[1, 0:_N, 0:64]
    t = dinv * (aggsum + hs2_ref[0:_N, 0:64]) + b2_ref[...]
    mu = jnp.mean(t, axis=0, keepdims=True)
    var = jnp.mean((t - mu) ** 2, axis=0, keepdims=True)
    tn = g2_ref[...] * (t - mu) * lax.rsqrt(var + _EPS) + be2_ref[...]
    h = jnp.maximum(tn, 0.0)

    g_hidden = jnp.maximum(
        jnp.dot(h, G1_ref[...], preferred_element_type=jnp.float32,
                precision=lax.Precision.HIGHEST) + gb1_ref[...], 0.0)
    gate = jnp.dot(g_hidden, G2_ref[...], preferred_element_type=jnp.float32,
                   precision=lax.Precision.HIGHEST) + gb2_ref[...]

    iota_col = lax.broadcasted_iota(jnp.int32, (_N, _G), 1)
    maskf = (bcol_ref[...] == iota_col).astype(jnp.float32)
    iota_lane = lax.broadcasted_iota(jnp.int32, (_G, _N), 0)
    maskTf = (blane_ref[...] == iota_lane).astype(jnp.float32)

    neg = jnp.float32(-jnp.inf)
    gmax = jnp.max(jnp.where(maskf > 0.0, gate, neg), axis=0, keepdims=True)
    gmax = jnp.where(jnp.isfinite(gmax), gmax, 0.0)
    gmaxn = jnp.sum(maskf * gmax, axis=1, keepdims=True)
    e = jnp.exp(gate - gmaxn)
    denom = jnp.sum(maskf * e, axis=0, keepdims=True)
    denomn = jnp.sum(maskf * denom, axis=1, keepdims=True)
    alpha = e / (denomn + 1e-16)
    weighted = alpha * h
    pooled = jnp.dot(maskTf, weighted, preferred_element_type=jnp.float32,
                     precision=lax.Precision.HIGHEST)

    z = jnp.maximum(
        jnp.dot(pooled, C1_ref[...], preferred_element_type=jnp.float32,
                precision=lax.Precision.HIGHEST) + cb1_ref[...], 0.0)
    out_ref[...] = jnp.dot(z, C2_ref[...], preferred_element_type=jnp.float32,
                           precision=lax.Precision.HIGHEST) + cb2_ref[...]


def kernel(x, edge_index, batch, W1, b1, gamma1, beta1, W2, b2, gamma2, beta2,
           G1, gb1, G2, gb2, C1, cb1, C2, cb2):
    src = edge_index[0]
    dst = edge_index[1]

    degp = _make_sc_deg()(dst)
    degT = degp.T

    sdp = jnp.stack([src.reshape(_NW, _NCHUNK, _CH),
                     dst.reshape(_NW, _NCHUNK, _CH)], axis=2)

    hs1 = pl.pallas_call(
        _tc_a_body,
        out_shape=jax.ShapeDtypeStruct((_N, 128), jnp.float32),
    )(x, W1, degT)

    z128 = jnp.zeros((_RPT, 128), jnp.float32)
    agg1 = _make_sc_agg(128)(hs1, sdp, z128)

    hs2 = pl.pallas_call(
        _tc_b_body,
        out_shape=jax.ShapeDtypeStruct((_N, 128), jnp.float32),
    )(agg1, hs1, degT, b1.reshape(1, 128), gamma1.reshape(1, 128),
      beta1.reshape(1, 128), W2)

    agg2 = _make_sc_agg(128)(hs2, sdp, z128)

    out = pl.pallas_call(
        _tc_c_body,
        out_shape=jax.ShapeDtypeStruct((_G, 2), jnp.float32),
    )(agg2, hs2, degT, b2.reshape(1, 64), gamma2.reshape(1, 64),
      beta2.reshape(1, 64), batch.reshape(_N, 1), batch.reshape(1, _N),
      G1, gb1.reshape(1, 32), G2, gb2.reshape(1, 1),
      C1, cb1.reshape(1, 32), C2, cb2.reshape(1, 2))
    return out

# --- scband reference (transcript-rebuilt; emitter-appended) ---
"""Pipeline reference for scband-simple-gnn-33956011442634 (READ-ONLY COPY).

The authoritative reference and input builder live on the scoring server;
editing this copy changes nothing except your own understanding.
"""

import jax, jax.numpy as jnp
import numpy as np

N_NODES = 10000
N_EDGES = 320000
N_GRAPHS = 64
D_IN = 128
H1 = 128
H2 = 64
EPS = 1e-5


def setup_inputs(seed: int = 0) -> dict:
    key = jax.random.key(seed)
    ks = jax.random.split(key, 20)
    x = jax.random.normal(ks[0], (N_NODES, D_IN), dtype=jnp.float32)
    edge_index = jax.random.randint(ks[1], (2, N_EDGES), 0, N_NODES, dtype=jnp.int64 if jax.config.jax_enable_x64 else jnp.int32).astype(jnp.int32)
    batch = jnp.sort(jax.random.randint(ks[2], (N_NODES,), 0, N_GRAPHS)).astype(jnp.int32)
    def lin(k, fan_in, fan_out):
        lim = 1.0 / np.sqrt(fan_in)
        kw, kb = jax.random.split(k)
        W = jax.random.uniform(kw, (fan_in, fan_out), minval=-lim, maxval=lim, dtype=jnp.float32)
        b = jax.random.uniform(kb, (fan_out,), minval=-lim, maxval=lim, dtype=jnp.float32)
        return W, b
    W1, b1 = lin(ks[3], D_IN, H1)
    W2, b2 = lin(ks[4], H1, H2)
    G1, gb1 = lin(ks[5], H2, 32)
    G2, gb2 = lin(ks[6], 32, 1)
    C1, cb1 = lin(ks[7], H2, 32)
    C2, cb2 = lin(ks[8], 32, 2)
    gamma1 = jnp.ones((H1,), jnp.float32); beta1 = jnp.zeros((H1,), jnp.float32)
    gamma2 = jnp.ones((H2,), jnp.float32); beta2 = jnp.zeros((H2,), jnp.float32)
    return {"x": x, "edge_index": edge_index, "batch": batch,
            "W1": W1, "b1": b1, "gamma1": gamma1, "beta1": beta1,
            "W2": W2, "b2": b2, "gamma2": gamma2, "beta2": beta2,
            "G1": G1, "gb1": gb1, "G2": G2, "gb2": gb2,
            "C1": C1, "cb1": cb1, "C2": C2, "cb2": cb2}


def _gcn_conv(x, src, dst, W, b, n):
    # PyG GCNConv: add self-loops, symmetric normalization, scatter-add aggregation
    loop = jnp.arange(n, dtype=src.dtype)
    s = jnp.concatenate([src, loop])
    d = jnp.concatenate([dst, loop])
    h = x @ W
    deg = jnp.zeros((n,), jnp.float32).at[d].add(1.0)
    dinv = jax.lax.rsqrt(jnp.maximum(deg, 1.0))
    norm = dinv[s] * dinv[d]
    msg = h[s] * norm[:, None]
    out = jnp.zeros_like(h).at[d].add(msg)
    return out + b


def _batchnorm(x, gamma, beta):
    mu = jnp.mean(x, axis=0)
    var = jnp.mean((x - mu) ** 2, axis=0)
    return gamma * (x - mu) * jax.lax.rsqrt(var + EPS) + beta


def reference(x, edge_index, batch, W1, b1, gamma1, beta1, W2, b2, gamma2, beta2, G1, gb1, G2, gb2, C1, cb1, C2, cb2):
    src, dst = edge_index[0], edge_index[1]
    h = _gcn_conv(x, src, dst, W1, b1, N_NODES)
    h = _batchnorm(h, gamma1, beta1)
    h = jax.nn.relu(h)
    # dropout is identity in eval mode
    h = _gcn_conv(h, src, dst, W2, b2, N_NODES)
    h = _batchnorm(h, gamma2, beta2)
    h = jax.nn.relu(h)
    # GlobalAttention pooling: gate = gate_nn(h); softmax over nodes per graph
    gate = jax.nn.relu(h @ G1 + gb1) @ G2 + gb2  # [N, 1]
    gate = gate[:, 0]
    gmax = jax.ops.segment_max(gate, batch, num_segments=N_GRAPHS)
    gmax = jnp.where(jnp.isfinite(gmax), gmax, 0.0)
    e = jnp.exp(gate - gmax[batch])
    denom = jax.ops.segment_sum(e, batch, num_segments=N_GRAPHS)
    alpha = e / (denom[batch] + 1e-16)
    pooled = jax.ops.segment_sum(alpha[:, None] * h, batch, num_segments=N_GRAPHS)  # [G, H2]
    # classifier
    out = jax.nn.relu(pooled @ C1 + cb1) @ C2 + cb2  # [G, 2]
    return out

if __name__ == "__main__":
    import jax
    _d = setup_inputs()
    print(jax.jit(kernel)(*tuple(_d.values())))

</pallas_src>

<mosaic_0001>
#map = affine_map<(d0, d1) -> (0, 0)>
#map1 = affine_map<(d0, d1) -> (0, 0, 0, 0)>
#map2 = affine_map<(d0, d1) -> (0, 0, 0)>
module attributes {stable_mosaic.version = 14 : i64} {
  func.func @agg(%arg0: i32, %arg1: i32, %arg2: memref<10000x128xf32, #tpu.memory_space<hbm>>, %arg3: memref<32x125x2x80xi32, #tpu.memory_space<hbm>>, %arg4: memref<640x128xf32, #tpu.memory_space<hbm>>, %arg5: memref<2x10240x128xf32, #tpu.memory_space<hbm>>, %arg6: memref<2x80xi32, #tpu.memory_space<vmem>>, %arg7: memref<2x80xi32, #tpu.memory_space<vmem>>, %arg8: memref<2x80xi32, #tpu.memory_space<vmem>>, %arg9: memref<2x80xi32, #tpu.memory_space<vmem>>, %arg10: memref<80x128xf32, #tpu.memory_space<vmem>>, %arg11: memref<80x128xf32, #tpu.memory_space<vmem>>, %arg12: memref<80x128xf32, #tpu.memory_space<vmem>>, %arg13: memref<80x128xf32, #tpu.memory_space<vmem>>, %arg14: memref<10240x128xf32, #tpu.memory_space<vmem_shared>>, %arg15: memref<!tpu.dma_semaphore, #tpu.memory_space<semaphore_mem>>, %arg16: memref<!tpu.dma_semaphore, #tpu.memory_space<semaphore_mem>>, %arg17: memref<!tpu.dma_semaphore, #tpu.memory_space<semaphore_mem>>, %arg18: memref<!tpu.dma_semaphore, #tpu.memory_space<semaphore_mem>>, %arg19: memref<!tpu.dma_semaphore, #tpu.memory_space<semaphore_mem>>, %arg20: memref<!tpu.dma_semaphore, #tpu.memory_space<semaphore_mem>>, %arg21: memref<!tpu.dma_semaphore, #tpu.memory_space<semaphore_mem>>, %arg22: memref<!tpu.dma_semaphore, #tpu.memory_space<semaphore_mem>>) attributes {dimension_semantics = [#tpu.dimension_semantics<core_parallel>, #tpu.dimension_semantics<subcore_parallel>], iteration_bounds = array<i64: 2, 16>, scalar_prefetch = 0 : i64, scratch_operands = 17 : i64, tpu.core_type = #tpu.core_type<sc_vector_subcore>, window_params = [{transform_indices = #map}, {transform_indices = #map1}, {transform_indices = #map}, {transform_indices = #map2}]} {
    %mul3A = arith.constant 2 : i32
    %mul3A_0 = arith.muli %arg1, %mul3A : i32
    %add3A = arith.addi %mul3A_0, %arg0 : i32
    %mul3A_1 = arith.constant 640 : i32
    %mul3A_2 = arith.muli %arg1, %mul3A_1 : i32
    "tpu.region"() ({
      %run_scoped3A_26 = tpu.sem_alloc : memref<!tpu.dma_semaphore, #tpu.memory_space<semaphore_mem>>
      %dma_start3A_27 = arith.constant 0 : i32
      %dma_start3A_28 = tpu.memref_slice %arg14[%mul3A_2, %dma_start3A_27] : memref<10240x128xf32, #tpu.memory_space<vmem_shared>> -> memref<640x128xf32, #tpu.memory_space<vmem_shared>>
      tpu.enqueue_dma source(%arg4 : memref<640x128xf32, #tpu.memory_space<hbm>>) target(%dma_start3A_28 : memref<640x128xf32, #tpu.memory_space<vmem_shared>>) target_semaphore(%run_scoped3A_26 : memref<!tpu.dma_semaphore, #tpu.memory_space<semaphore_mem>>)
      %dma_wait3A_29 = arith.constant 0 : i32
      %dma_wait3A_30 = tpu.memref_slice %arg14[%mul3A_2, %dma_wait3A_29] : memref<10240x128xf32, #tpu.memory_space<vmem_shared>> -> memref<640x128xf32, #tpu.memory_space<vmem_shared>>
      tpu.wait_dma2 semaphore(%run_scoped3A_26 : memref<!tpu.dma_semaphore, #tpu.memory_space<semaphore_mem>>) src(%arg4 : memref<640x128xf32, #tpu.memory_space<hbm>>) dst(%dma_wait3A_30 : memref<640x128xf32, #tpu.memory_space<vmem_shared>>)
      tpu.yield
    }) : () -> ()
    %barrier3A = arith.constant 0 : index
    tpu.barrier barrier_id(%barrier3A)
    %scan3A = arith.constant 0 : i32
    %scan3A_3 = arith.constant 0 : i32
    %scan3A_4 = arith.constant 31 : i32
    %scan3A_5 = arith.addi %scan3A_3, %scan3A_4 : i32
    %scan3A_6 = arith.constant 1 : i32
    scf.for %scan3A_26 = %scan3A_3 to %scan3A_5 step %scan3A_6  : i32 {
      %mul3A_27 = arith.constant 4 : i32
      %mul3A_28 = arith.muli %scan3A_26, %mul3A_27 : i32
      %add3A_29 = arith.constant 0 : i32
      %add3A_30 = arith.addi %mul3A_28, %add3A_29 : i32
      "tpu.region"() ({
        %run_scoped3A_155 = tpu.sem_alloc : memref<!tpu.dma_semaphore, #tpu.memory_space<semaphore_mem>>
        %dma_start3A_156 = arith.constant 0 : i32
        %dma_start3A_157 = arith.constant 0 : i32
        %dma_start3A_158 = tpu.memref_slice %arg3[%add3A, %add3A_30, %dma_start3A_156, %dma_start3A_157] : memref<32x125x2x80xi32, #tpu.memory_space<hbm>> -> memref<1x1x2x80xi32, #tpu.memory_space<hbm>>
        %dma_start3A_159 = tpu.memref_squeeze %dma_start3A_158 : memref<1x1x2x80xi32, #tpu.memory_space<hbm>> -> memref<2x80xi32, #tpu.memory_space<hbm>>
        %dma_start3A_160 = arith.constant 0 : i32
        %dma_start3A_161 = arith.constant 0 : i32
        %dma_start3A_162 = tpu.memref_slice %arg3[%add3A, %add3A_30, %dma_start3A_160, %dma_start3A_161] : memref<32x125x2x80xi32, #tpu.memory_space<hbm>> -> memref<1x1x2x80xi32, #tpu.memory_space<hbm>>
        %dma_start3A_163 = tpu.memref_squeeze %dma_start3A_162 : memref<1x1x2x80xi32, #tpu.memory_space<hbm>> -> memref<2x80xi32, #tpu.memory_space<hbm>>
        tpu.enqueue_dma source(%dma_start3A_163 : memref<2x80xi32, #tpu.memory_space<hbm>>) target(%arg6 : memref<2x80xi32, #tpu.memory_space<vmem>>) target_semaphore(%run_scoped3A_155 : memref<!tpu.dma_semaphore, #tpu.memory_space<semaphore_mem>>)
        %dma_wait3A_164 = arith.constant 0 : i32
        %dma_wait3A_165 = arith.constant 0 : i32
        %dma_wait3A_166 = tpu.memref_slice %arg3[%add3A, %add3A_30, %dma_wait3A_164, %dma_wait3A_165] : memref<32x125x2x80xi32, #tpu.memory_space<hbm>> -> memref<1x1x2x80xi32, #tpu.memory_space<hbm>>
        %dma_wait3A_167 = tpu.memref_squeeze %dma_wait3A_166 : memref<1x1x2x80xi32, #tpu.memory_space<hbm>> -> memref<2x80xi32, #tpu.memory_space<hbm>>
        %dma_wait3A_168 = arith.constant 0 : i32
        %dma_wait3A_169 = arith.constant 0 : i32
        %dma_wait3A_170 = tpu.memref_slice %arg3[%add3A, %add3A_30, %dma_wait3A_168, %dma_wait3A_169] : memref<32x125x2x80xi32, #tpu.memory_space<hbm>> -> memref<1x1x2x80xi32, #tpu.memory_space<hbm>>
        %dma_wait3A_171 = tpu.memref_squeeze %dma_wait3A_170 : memref<1x1x2x80xi32, #tpu.memory_space<hbm>> -> memref<2x80xi32, #tpu.memory_space<hbm>>
        tpu.wait_dma2 semaphore(%run_scoped3A_155 : memref<!tpu.dma_semaphore, #tpu.memory_space<semaphore_mem>>) src(%dma_wait3A_171 : memref<2x80xi32, #tpu.memory_space<hbm>>) dst(%arg6 : memref<2x80xi32, #tpu.memory_space<vmem>>)
        tpu.yield
      }) : () -> ()
      %dma_start3A_31 = arith.constant 0 : i32
      %dma_start3A_32 = arith.constant 0 : i32
      %dma_start3A_33 = tpu.memref_slice %arg6[%dma_start3A_31, %dma_start3A_32] : memref<2x80xi32, #tpu.memory_space<vmem>> -> memref<1x80xi32, #tpu.memory_space<vmem>>
      %dma_start3A_34 = tpu.memref_squeeze %dma_start3A_33 : memref<1x80xi32, #tpu.memory_space<vmem>> -> memref<80xi32, #tpu.memory_space<vmem>>
      %dma_start3A_35 = arith.constant 0 : i32
      %dma_start3A_36 = arith.constant 0 : i32
      %dma_start3A_37 = tpu.memref_slice %arg2[%dma_start3A_35, %dma_start3A_36] : memref<10000x128xf32, #tpu.memory_space<hbm>> -> memref<10000x128xf32, #tpu.memory_space<hbm>>
      tpu.enqueue_indirect_dma source(%dma_start3A_37 : memref<10000x128xf32, #tpu.memory_space<hbm>>) target(%arg10 : memref<80x128xf32, #tpu.memory_space<vmem>>) offsets(%dma_start3A_34 : memref<80xi32, #tpu.memory_space<vmem>>) semaphore(%arg15 : memref<!tpu.dma_semaphore, #tpu.memory_space<semaphore_mem>>)
      %mul3A_38 = arith.constant 4 : i32
      %mul3A_39 = arith.muli %scan3A_26, %mul3A_38 : i32
      %add3A_40 = arith.constant 1 : i32
      %add3A_41 = arith.addi %mul3A_39, %add3A_40 : i32
      "tpu.region"() ({
        %run_scoped3A_155 = tpu.sem_alloc : memref<!tpu.dma_semaphore, #tpu.memory_space<semaphore_mem>>
        %dma_start3A_156 = arith.constant 0 : i32
        %dma_start3A_157 = arith.constant 0 : i32
        %dma_start3A_158 = tpu.memref_slice %arg3[%add3A, %add3A_41, %dma_start3A_156, %dma_start3A_157] : memref<32x125x2x80xi32, #tpu.memory_space<hbm>> -> memref<1x1x2x80xi32, #tpu.memory_space<hbm>>
        %dma_start3A_159 = tpu.memref_squeeze %dma_start3A_158 : memref<1x1x2x80xi32, #tpu.memory_space<hbm>> -> memref<2x80xi32, #tpu.memory_space<hbm>>
        %dma_start3A_160 = arith.constant 0 : i32
        %dma_start3A_161 = arith.constant 0 : i32
        %dma_start3A_162 = tpu.memref_slice %arg3[%add3A, %add3A_41, %dma_start3A_160, %dma_start3A_161] : memref<32x125x2x80xi32, #tpu.memory_space<hbm>> -> memref<1x1x2x80xi32, #tpu.memory_space<hbm>>
        %dma_start3A_163 = tpu.memref_squeeze %dma_start3A_162 : memref<1x1x2x80xi32, #tpu.memory_space<hbm>> -> memref<2x80xi32, #tpu.memory_space<hbm>>
        tpu.enqueue_dma source(%dma_start3A_163 : memref<2x80xi32, #tpu.memory_space<hbm>>) target(%arg7 : memref<2x80xi32, #tpu.memory_space<vmem>>) target_semaphore(%run_scoped3A_155 : memref<!tpu.dma_semaphore, #tpu.memory_space<semaphore_mem>>)
        %dma_wait3A_164 = arith.constant 0 : i32
        %dma_wait3A_165 = arith.constant 0 : i32
        %dma_wait3A_166 = tpu.memref_slice %arg3[%add3A, %add3A_41, %dma_wait3A_164, %dma_wait3A_165] : memref<32x125x2x80xi32, #tpu.memory_space<hbm>> -> memref<1x1x2x80xi32, #tpu.memory_space<hbm>>
        %dma_wait3A_167 = tpu.memref_squeeze %dma_wait3A_166 : memref<1x1x2x80xi32, #tpu.memory_space<hbm>> -> memref<2x80xi32, #tpu.memory_space<hbm>>
        %dma_wait3A_168 = arith.constant 0 : i32
        %dma_wait3A_169 = arith.constant 0 : i32
        %dma_wait3A_170 = tpu.memref_slice %arg3[%add3A, %add3A_41, %dma_wait3A_168, %dma_wait3A_169] : memref<32x125x2x80xi32, #tpu.memory_space<hbm>> -> memref<1x1x2x80xi32, #tpu.memory_space<hbm>>
        %dma_wait3A_171 = tpu.memref_squeeze %dma_wait3A_170 : memref<1x1x2x80xi32, #tpu.memory_space<hbm>> -> memref<2x80xi32, #tpu.memory_space<hbm>>
        tpu.wait_dma2 semaphore(%run_scoped3A_155 : memref<!tpu.dma_semaphore, #tpu.memory_space<semaphore_mem>>) src(%dma_wait3A_171 : memref<2x80xi32, #tpu.memory_space<hbm>>) dst(%arg7 : memref<2x80xi32, #tpu.memory_space<vmem>>)
        tpu.yield
      }) : () -> ()
      %dma_start3A_42 = arith.constant 0 : i32
      %dma_start3A_43 = arith.constant 0 : i32
      %dma_start3A_44 = tpu.memref_slice %arg7[%dma_start3A_42, %dma_start3A_43] : memref<2x80xi32, #tpu.memory_space<vmem>> -> memref<1x80xi32, #tpu.memory_space<vmem>>
      %dma_start3A_45 = tpu.memref_squeeze %dma_start3A_44 : memref<1x80xi32, #tpu.memory_space<vmem>> -> memref<80xi32, #tpu.memory_space<vmem>>
      %dma_start3A_46 = arith.constant 0 : i32
      %dma_start3A_47 = arith.constant 0 : i32
      %dma_start3A_48 = tpu.memref_slice %arg2[%dma_start3A_46, %dma_start3A_47] : memref<10000x128xf32, #tpu.memory_space<hbm>> -> memref<10000x128xf32, #tpu.memory_space<hbm>>
      tpu.enqueue_indirect_dma source(%dma_start3A_48 : memref<10000x128xf32, #tpu.memory_space<hbm>>) target(%arg11 : memref<80x128xf32, #tpu.memory_space<vmem>>) offsets(%dma_start3A_45 : memref<80xi32, #tpu.memory_space<vmem>>) semaphore(%arg16 : memref<!tpu.dma_semaphore, #tpu.memory_space<semaphore_mem>>)
      %mul3A_49 = arith.constant 4 : i32
      %mul3A_50 = arith.muli %scan3A_26, %mul3A_49 : i32
      %add3A_51 = arith.constant 2 : i32
      %add3A_52 = arith.addi %mul3A_50, %add3A_51 : i32
      "tpu.region"() ({
        %run_scoped3A_155 = tpu.sem_alloc : memref<!tpu.dma_semaphore, #tpu.memory_space<semaphore_mem>>
        %dma_start3A_156 = arith.constant 0 : i32
        %dma_start3A_157 = arith.constant 0 : i32
        %dma_start3A_158 = tpu.memref_slice %arg3[%add3A, %add3A_52, %dma_start3A_156, %dma_start3A_157] : memref<32x125x2x80xi32, #tpu.memory_space<hbm>> -> memref<1x1x2x80xi32, #tpu.memory_space<hbm>>
        %dma_start3A_159 = tpu.memref_squeeze %dma_start3A_158 : memref<1x1x2x80xi32, #tpu.memory_space<hbm>> -> memref<2x80xi32, #tpu.memory_space<hbm>>
        %dma_start3A_160 = arith.constant 0 : i32
        %dma_start3A_161 = arith.constant 0 : i32
        %dma_start3A_162 = tpu.memref_slice %arg3[%add3A, %add3A_52, %dma_start3A_160, %dma_start3A_161] : memref<32x125x2x80xi32, #tpu.memory_space<hbm>> -> memref<1x1x2x80xi32, #tpu.memory_space<hbm>>
        %dma_start3A_163 = tpu.memref_squeeze %dma_start3A_162 : memref<1x1x2x80xi32, #tpu.memory_space<hbm>> -> memref<2x80xi32, #tpu.memory_space<hbm>>
        tpu.enqueue_dma source(%dma_start3A_163 : memref<2x80xi32, #tpu.memory_space<hbm>>) target(%arg8 : memref<2x80xi32, #tpu.memory_space<vmem>>) target_semaphore(%run_scoped3A_155 : memref<!tpu.dma_semaphore, #tpu.memory_space<semaphore_mem>>)
        %dma_wait3A_164 = arith.constant 0 : i32
        %dma_wait3A_165 = arith.constant 0 : i32
        %dma_wait3A_166 = tpu.memref_slice %arg3[%add3A, %add3A_52, %dma_wait3A_164, %dma_wait3A_165] : memref<32x125x2x80xi32, #tpu.memory_space<hbm>> -> memref<1x1x2x80xi32, #tpu.memory_space<hbm>>
        %dma_wait3A_167 = tpu.memref_squeeze %dma_wait3A_166 : memref<1x1x2x80xi32, #tpu.memory_space<hbm>> -> memref<2x80xi32, #tpu.memory_space<hbm>>
        %dma_wait3A_168 = arith.constant 0 : i32
        %dma_wait3A_169 = arith.constant 0 : i32
        %dma_wait3A_170 = tpu.memref_slice %arg3[%add3A, %add3A_52, %dma_wait3A_168, %dma_wait3A_169] : memref<32x125x2x80xi32, #tpu.memory_space<hbm>> -> memref<1x1x2x80xi32, #tpu.memory_space<hbm>>
        %dma_wait3A_171 = tpu.memref_squeeze %dma_wait3A_170 : memref<1x1x2x80xi32, #tpu.memory_space<hbm>> -> memref<2x80xi32, #tpu.memory_space<hbm>>
        tpu.wait_dma2 semaphore(%run_scoped3A_155 : memref<!tpu.dma_semaphore, #tpu.memory_space<semaphore_mem>>) src(%dma_wait3A_171 : memref<2x80xi32, #tpu.memory_space<hbm>>) dst(%arg8 : memref<2x80xi32, #tpu.memory_space<vmem>>)
        tpu.yield
      }) : () -> ()
      %dma_start3A_53 = arith.constant 0 : i32
      %dma_start3A_54 = arith.constant 0 : i32
      %dma_start3A_55 = tpu.memref_slice %arg8[%dma_start3A_53, %dma_start3A_54] : memref<2x80xi32, #tpu.memory_space<vmem>> -> memref<1x80xi32, #tpu.memory_space<vmem>>
      %dma_start3A_56 = tpu.memref_squeeze %dma_start3A_55 : memref<1x80xi32, #tpu.memory_space<vmem>> -> memref<80xi32, #tpu.memory_space<vmem>>
      %dma_start3A_57 = arith.constant 0 : i32
      %dma_start3A_58 = arith.constant 0 : i32
      %dma_start3A_59 = tpu.memref_slice %arg2[%dma_start3A_57, %dma_start3A_58] : memref<10000x128xf32, #tpu.memory_space<hbm>> -> memref<10000x128xf32, #tpu.memory_space<hbm>>
      tpu.enqueue_indirect_dma source(%dma_start3A_59 : memref<10000x128xf32, #tpu.memory_space<hbm>>) target(%arg12 : memref<80x128xf32, #tpu.memory_space<vmem>>) offsets(%dma_start3A_56 : memref<80xi32, #tpu.memory_space<vmem>>) semaphore(%arg17 : memref<!tpu.dma_semaphore, #tpu.memory_space<semaphore_mem>>)
      %mul3A_60 = arith.constant 4 : i32
      %mul3A_61 = arith.muli %scan3A_26, %mul3A_60 : i32
      %add3A_62 = arith.constant 3 : i32
      %add3A_63 = arith.addi %mul3A_61, %add3A_62 : i32
      "tpu.region"() ({
        %run_scoped3A_155 = tpu.sem_alloc : memref<!tpu.dma_semaphore, #tpu.memory_space<semaphore_mem>>
        %dma_start3A_156 = arith.constant 0 : i32
        %dma_start3A_157 = arith.constant 0 : i32
        %dma_start3A_158 = tpu.memref_slice %arg3[%add3A, %add3A_63, %dma_start3A_156, %dma_start3A_157] : memref<32x125x2x80xi32, #tpu.memory_space<hbm>> -> memref<1x1x2x80xi32, #tpu.memory_space<hbm>>
        %dma_start3A_159 = tpu.memref_squeeze %dma_start3A_158 : memref<1x1x2x80xi32, #tpu.memory_space<hbm>> -> memref<2x80xi32, #tpu.memory_space<hbm>>
        %dma_start3A_160 = arith.constant 0 : i32
        %dma_start3A_161 = arith.constant 0 : i32
        %dma_start3A_162 = tpu.memref_slice %arg3[%add3A, %add3A_63, %dma_start3A_160, %dma_start3A_161] : memref<32x125x2x80xi32, #tpu.memory_space<hbm>> -> memref<1x1x2x80xi32, #tpu.memory_space<hbm>>
        %dma_start3A_163 = tpu.memref_squeeze %dma_start3A_162 : memref<1x1x2x80xi32, #tpu.memory_space<hbm>> -> memref<2x80xi32, #tpu.memory_space<hbm>>
        tpu.enqueue_dma source(%dma_start3A_163 : memref<2x80xi32, #tpu.memory_space<hbm>>) target(%arg9 : memref<2x80xi32, #tpu.memory_space<vmem>>) target_semaphore(%run_scoped3A_155 : memref<!tpu.dma_semaphore, #tpu.memory_space<semaphore_mem>>)
        %dma_wait3A_164 = arith.constant 0 : i32
        %dma_wait3A_165 = arith.constant 0 : i32
        %dma_wait3A_166 = tpu.memref_slice %arg3[%add3A, %add3A_63, %dma_wait3A_164, %dma_wait3A_165] : memref<32x125x2x80xi32, #tpu.memory_space<hbm>> -> memref<1x1x2x80xi32, #tpu.memory_space<hbm>>
        %dma_wait3A_167 = tpu.memref_squeeze %dma_wait3A_166 : memref<1x1x2x80xi32, #tpu.memory_space<hbm>> -> memref<2x80xi32, #tpu.memory_space<hbm>>
        %dma_wait3A_168 = arith.constant 0 : i32
        %dma_wait3A_169 = arith.constant 0 : i32
        %dma_wait3A_170 = tpu.memref_slice %arg3[%add3A, %add3A_63, %dma_wait3A_168, %dma_wait3A_169] : memref<32x125x2x80xi32, #tpu.memory_space<hbm>> -> memref<1x1x2x80xi32, #tpu.memory_space<hbm>>
        %dma_wait3A_171 = tpu.memref_squeeze %dma_wait3A_170 : memref<1x1x2x80xi32, #tpu.memory_space<hbm>> -> memref<2x80xi32, #tpu.memory_space<hbm>>
        tpu.wait_dma2 semaphore(%run_scoped3A_155 : memref<!tpu.dma_semaphore, #tpu.memory_space<semaphore_mem>>) src(%dma_wait3A_171 : memref<2x80xi32, #tpu.memory_space<hbm>>) dst(%arg9 : memref<2x80xi32, #tpu.memory_space<vmem>>)
        tpu.yield
      }) : () -> ()
      %dma_start3A_64 = arith.constant 0 : i32
      %dma_start3A_65 = arith.constant 0 : i32
      %dma_start3A_66 = tpu.memref_slice %arg9[%dma_start3A_64, %dma_start3A_65] : memref<2x80xi32, #tpu.memory_space<vmem>> -> memref<1x80xi32, #tpu.memory_space<vmem>>
      %dma_start3A_67 = tpu.memref_squeeze %dma_start3A_66 : memref<1x80xi32, #tpu.memory_space<vmem>> -> memref<80xi32, #tpu.memory_space<vmem>>
      %dma_start3A_68 = arith.constant 0 : i32
      %dma_start3A_69 = arith.constant 0 : i32
      %dma_start3A_70 = tpu.memref_slice %arg2[%dma_start3A_68, %dma_start3A_69] : memref<10000x128xf32, #tpu.memory_space<hbm>> -> memref<10000x128xf32, #tpu.memory_space<hbm>>
      tpu.enqueue_indirect_dma source(%dma_start3A_70 : memref<10000x128xf32, #tpu.memory_space<hbm>>) target(%arg13 : memref<80x128xf32, #tpu.memory_space<vmem>>) offsets(%dma_start3A_67 : memref<80xi32, #tpu.memory_space<vmem>>) semaphore(%arg18 : memref<!tpu.dma_semaphore, #tpu.memory_space<semaphore_mem>>)
      %dma_wait3A_71 = arith.constant 0 : i32
      %dma_wait3A_72 = arith.constant 0 : i32
      %dma_wait3A_73 = tpu.memref_slice %arg6[%dma_wait3A_71, %dma_wait3A_72] : memref<2x80xi32, #tpu.memory_space<vmem>> -> memref<1x80xi32, #tpu.memory_space<vmem>>
      %dma_wait3A_74 = tpu.memref_squeeze %dma_wait3A_73 : memref<1x80xi32, #tpu.memory_space<vmem>> -> memref<80xi32, #tpu.memory_space<vmem>>
      %dma_wait3A_75 = arith.constant 0 : i32
      %dma_wait3A_76 = arith.constant 0 : i32
      %dma_wait3A_77 = tpu.memref_slice %arg2[%dma_wait3A_75, %dma_wait3A_76] : memref<10000x128xf32, #tpu.memory_space<hbm>> -> memref<10000x128xf32, #tpu.memory_space<hbm>>
      tpu.wait_indirect_dma semaphore(%arg15 : memref<!tpu.dma_semaphore, #tpu.memory_space<semaphore_mem>>) src(%dma_wait3A_77 : memref<10000x128xf32, #tpu.memory_space<hbm>>) dst(%arg10 : memref<80x128xf32, #tpu.memory_space<vmem>>)
      %dma_start3A_78 = arith.constant 1 : i32
      %dma_start3A_79 = arith.constant 0 : i32
      %dma_start3A_80 = tpu.memref_slice %arg6[%dma_start3A_78, %dma_start3A_79] : memref<2x80xi32, #tpu.memory_space<vmem>> -> memref<1x80xi32, #tpu.memory_space<vmem>>
      %dma_start3A_81 = tpu.memref_squeeze %dma_start3A_80 : memref<1x80xi32, #tpu.memory_space<vmem>> -> memref<80xi32, #tpu.memory_space<vmem>>
      %dma_start3A_82 = arith.constant 0 : i32
      %dma_start3A_83 = arith.constant 0 : i32
      %dma_start3A_84 = tpu.memref_slice %arg14[%dma_start3A_82, %dma_start3A_83] : memref<10240x128xf32, #tpu.memory_space<vmem_shared>> -> memref<10240x128xf32, #tpu.memory_space<vmem_shared>>
      tpu.enqueue_indirect_dma source(%arg10 : memref<80x128xf32, #tpu.memory_space<vmem>>) target(%dma_start3A_84 : memref<10240x128xf32, #tpu.memory_space<vmem_shared>>) offsets(%dma_start3A_81 : memref<80xi32, #tpu.memory_space<vmem>>) semaphore(%arg19 : memref<!tpu.dma_semaphore, #tpu.memory_space<semaphore_mem>>) {add = true}
      %dma_wait3A_85 = arith.constant 0 : i32
      %dma_wait3A_86 = arith.constant 0 : i32
      %dma_wait3A_87 = tpu.memref_slice %arg7[%dma_wait3A_85, %dma_wait3A_86] : memref<2x80xi32, #tpu.memory_space<vmem>> -> memref<1x80xi32, #tpu.memory_space<vmem>>
      %dma_wait3A_88 = tpu.memref_squeeze %dma_wait3A_87 : memref<1x80xi32, #tpu.memory_space<vmem>> -> memref<80xi32, #tpu.memory_space<vmem>>
      %dma_wait3A_89 = arith.constant 0 : i32
      %dma_wait3A_90 = arith.constant 0 : i32
      %dma_wait3A_91 = tpu.memref_slice %arg2[%dma_wait3A_89, %dma_wait3A_90] : memref<10000x128xf32, #tpu.memory_space<hbm>> -> memref<10000x128xf32, #tpu.memory_space<hbm>>
      tpu.wait_indirect_dma semaphore(%arg16 : memref<!tpu.dma_semaphore, #tpu.memory_space<semaphore_mem>>) src(%dma_wait3A_91 : memref<10000x128xf32, #tpu.memory_space<hbm>>) dst(%arg11 : memref<80x128xf32, #tpu.memory_space<vmem>>)
      %dma_start3A_92 = arith.constant 1 : i32
      %dma_start3A_93 = arith.constant 0 : i32
      %dma_start3A_94 = tpu.memref_slice %arg7[%dma_start3A_92, %dma_start3A_93] : memref<2x80xi32, #tpu.memory_space<vmem>> -> memref<1x80xi32, #tpu.memory_space<vmem>>
      %dma_start3A_95 = tpu.memref_squeeze %dma_start3A_94 : memref<1x80xi32, #tpu.memory_space<vmem>> -> memref<80xi32, #tpu.memory_space<vmem>>
      %dma_start3A_96 = arith.constant 0 : i32
      %dma_start3A_97 = arith.constant 0 : i32
      %dma_start3A_98 = tpu.memref_slice %arg14[%dma_start3A_96, %dma_start3A_97] : memref<10240x128xf32, #tpu.memory_space<vmem_shared>> -> memref<10240x128xf32, #tpu.memory_space<vmem_shared>>
      tpu.enqueue_indirect_dma source(%arg11 : memref<80x128xf32, #tpu.memory_space<vmem>>) target(%dma_start3A_98 : memref<10240x128xf32, #tpu.memory_space<vmem_shared>>) offsets(%dma_start3A_95 : memref<80xi32, #tpu.memory_space<vmem>>) semaphore(%arg20 : memref<!tpu.dma_semaphore, #tpu.memory_space<semaphore_mem>>) {add = true}
      %dma_wait3A_99 = arith.constant 0 : i32
      %dma_wait3A_100 = arith.constant 0 : i32
      %dma_wait3A_101 = tpu.memref_slice %arg8[%dma_wait3A_99, %dma_wait3A_100] : memref<2x80xi32, #tpu.memory_space<vmem>> -> memref<1x80xi32, #tpu.memory_space<vmem>>
      %dma_wait3A_102 = tpu.memref_squeeze %dma_wait3A_101 : memref<1x80xi32, #tpu.memory_space<vmem>> -> memref<80xi32, #tpu.memory_space<vmem>>
      %dma_wait3A_103 = arith.constant 0 : i32
      %dma_wait3A_104 = arith.constant 0 : i32
      %dma_wait3A_105 = tpu.memref_slice %arg2[%dma_wait3A_103, %dma_wait3A_104] : memref<10000x128xf32, #tpu.memory_space<hbm>> -> memref<10000x128xf32, #tpu.memory_space<hbm>>
      tpu.wait_indirect_dma semaphore(%arg17 : memref<!tpu.dma_semaphore, #tpu.memory_space<semaphore_mem>>) src(%dma_wait3A_105 : memref<10000x128xf32, #tpu.memory_space<hbm>>) dst(%arg12 : memref<80x128xf32, #tpu.memory_space<vmem>>)
      %dma_start3A_106 = arith.constant 1 : i32
      %dma_start3A_107 = arith.constant 0 : i32
      %dma_start3A_108 = tpu.memref_slice %arg8[%dma_start3A_106, %dma_start3A_107] : memref<2x80xi32, #tpu.memory_space<vmem>> -> memref<1x80xi32, #tpu.memory_space<vmem>>
      %dma_start3A_109 = tpu.memref_squeeze %dma_start3A_108 : memref<1x80xi32, #tpu.memory_space<vmem>> -> memref<80xi32, #tpu.memory_space<vmem>>
      %dma_start3A_110 = arith.constant 0 : i32
      %dma_start3A_111 = arith.constant 0 : i32
      %dma_start3A_112 = tpu.memref_slice %arg14[%dma_start3A_110, %dma_start3A_111] : memref<10240x128xf32, #tpu.memory_space<vmem_shared>> -> memref<10240x128xf32, #tpu.memory_space<vmem_shared>>
      tpu.enqueue_indirect_dma source(%arg12 : memref<80x128xf32, #tpu.memory_space<vmem>>) target(%dma_start3A_112 : memref<10240x128xf32, #tpu.memory_space<vmem_shared>>) offsets(%dma_start3A_109 : memref<80xi32, #tpu.memory_space<vmem>>) semaphore(%arg21 : memref<!tpu.dma_semaphore, #tpu.memory_space<semaphore_mem>>) {add = true}
      %dma_wait3A_113 = arith.constant 0 : i32
      %dma_wait3A_114 = arith.constant 0 : i32
      %dma_wait3A_115 = tpu.memref_slice %arg9[%dma_wait3A_113, %dma_wait3A_114] : memref<2x80xi32, #tpu.memory_space<vmem>> -> memref<1x80xi32, #tpu.memory_space<vmem>>
      %dma_wait3A_116 = tpu.memref_squeeze %dma_wait3A_115 : memref<1x80xi32, #tpu.memory_space<vmem>> -> memref<80xi32, #tpu.memory_space<vmem>>
      %dma_wait3A_117 = arith.constant 0 : i32
      %dma_wait3A_118 = arith.constant 0 : i32
      %dma_wait3A_119 = tpu.memref_slice %arg2[%dma_wait3A_117, %dma_wait3A_118] : memref<10000x128xf32, #tpu.memory_space<hbm>> -> memref<10000x128xf32, #tpu.memory_space<hbm>>
      tpu.wait_indirect_dma semaphore(%arg18 : memref<!tpu.dma_semaphore, #tpu.memory_space<semaphore_mem>>) src(%dma_wait3A_119 : memref<10000x128xf32, #tpu.memory_space<hbm>>) dst(%arg13 : memref<80x128xf32, #tpu.memory_space<vmem>>)
      %dma_start3A_120 = arith.constant 1 : i32
      %dma_start3A_121 = arith.constant 0 : i32
      %dma_start3A_122 = tpu.memref_slice %arg9[%dma_start3A_120, %dma_start3A_121] : memref<2x80xi32, #tpu.memory_space<vmem>> -> memref<1x80xi32, #tpu.memory_space<vmem>>
      %dma_start3A_123 = tpu.memref_squeeze %dma_start3A_122 : memref<1x80xi32, #tpu.memory_space<vmem>> -> memref<80xi32, #tpu.memory_space<vmem>>
      %dma_start3A_124 = arith.constant 0 : i32
      %dma_start3A_125 = arith.constant 0 : i32
      %dma_start3A_126 = tpu.memref_slice %arg14[%dma_start3A_124, %dma_start3A_125] : memref<10240x128xf32, #tpu.memory_space<vmem_shared>> -> memref<10240x128xf32, #tpu.memory_space<vmem_shared>>
      tpu.enqueue_indirect_dma source(%arg13 : memref<80x128xf32, #tpu.memory_space<vmem>>) target(%dma_start3A_126 : memref<10240x128xf32, #tpu.memory_space<vmem_shared>>) offsets(%dma_start3A_123 : memref<80xi32, #tpu.memory_space<vmem>>) semaphore(%arg22 : memref<!tpu.dma_semaphore, #tpu.memory_space<semaphore_mem>>) {add = true}
      %dma_wait3A_127 = arith.constant 1 : i32
      %dma_wait3A_128 = arith.constant 0 : i32
      %dma_wait3A_129 = tpu.memref_slice %arg6[%dma_wait3A_127, %dma_wait3A_128] : memref<2x80xi32, #tpu.memory_space<vmem>> -> memref<1x80xi32, #tpu.memory_space<vmem>>
      %dma_wait3A_130 = tpu.memref_squeeze %dma_wait3A_129 : memref<1x80xi32, #tpu.memory_space<vmem>> -> memref<80xi32, #tpu.memory_space<vmem>>
      %dma_wait3A_131 = arith.constant 0 : i32
      %dma_wait3A_132 = arith.constant 0 : i32
      %dma_wait3A_133 = tpu.memref_slice %arg14[%dma_wait3A_131, %dma_wait3A_132] : memref<10240x128xf32, #tpu.memory_space<vmem_shared>> -> memref<10240x128xf32, #tpu.memory_space<vmem_shared>>
      tpu.wait_indirect_dma semaphore(%arg19 : memref<!tpu.dma_semaphore, #tpu.memory_space<semaphore_mem>>) src(%arg10 : memref<80x128xf32, #tpu.memory_space<vmem>>) dst(%dma_wait3A_133 : memref<10240x128xf32, #tpu.memory_space<vmem_shared>>)
      %dma_wait3A_134 = arith.constant 1 : i32
      %dma_wait3A_135 = arith.constant 0 : i32
      %dma_wait3A_136 = tpu.memref_slice %arg7[%dma_wait3A_134, %dma_wait3A_135] : memref<2x80xi32, #tpu.memory_space<vmem>> -> memref<1x80xi32, #tpu.memory_space<vmem>>
      %dma_wait3A_137 = tpu.memref_squeeze %dma_wait3A_136 : memref<1x80xi32, #tpu.memory_space<vmem>> -> memref<80xi32, #tpu.memory_space<vmem>>
      %dma_wait3A_138 = arith.constant 0 : i32
      %dma_wait3A_139 = arith.constant 0 : i32
      %dma_wait3A_140 = tpu.memref_slice %arg14[%dma_wait3A_138, %dma_wait3A_139] : memref<10240x128xf32, #tpu.memory_space<vmem_shared>> -> memref<10240x128xf32, #tpu.memory_space<vmem_shared>>
      tpu.wait_indirect_dma semaphore(%arg20 : memref<!tpu.dma_semaphore, #tpu.memory_space<semaphore_mem>>) src(%arg11 : memref<80x128xf32, #tpu.memory_space<vmem>>) dst(%dma_wait3A_140 : memref<10240x128xf32, #tpu.memory_space<vmem_shared>>)
      %dma_wait3A_141 = arith.constant 1 : i32
      %dma_wait3A_142 = arith.constant 0 : i32
      %dma_wait3A_143 = tpu.memref_slice %arg8[%dma_wait3A_141, %dma_wait3A_142] : memref<2x80xi32, #tpu.memory_space<vmem>> -> memref<1x80xi32, #tpu.memory_space<vmem>>
      %dma_wait3A_144 = tpu.memref_squeeze %dma_wait3A_143 : memref<1x80xi32, #tpu.memory_space<vmem>> -> memref<80xi32, #tpu.memory_space<vmem>>
      %dma_wait3A_145 = arith.constant 0 : i32
      %dma_wait3A_146 = arith.constant 0 : i32
      %dma_wait3A_147 = tpu.memref_slice %arg14[%dma_wait3A_145, %dma_wait3A_146] : memref<10240x128xf32, #tpu.memory_space<vmem_shared>> -> memref<10240x128xf32, #tpu.memory_space<vmem_shared>>
      tpu.wait_indirect_dma semaphore(%arg21 : memref<!tpu.dma_semaphore, #tpu.memory_space<semaphore_mem>>) src(%arg12 : memref<80x128xf32, #tpu.memory_space<vmem>>) dst(%dma_wait3A_147 : memref<10240x128xf32, #tpu.memory_space<vmem_shared>>)
      %dma_wait3A_148 = arith.constant 1 : i32
      %dma_wait3A_149 = arith.constant 0 : i32
      %dma_wait3A_150 = tpu.memref_slice %arg9[%dma_wait3A_148, %dma_wait3A_149] : memref<2x80xi32, #tpu.memory_space<vmem>> -> memref<1x80xi32, #tpu.memory_space<vmem>>
      %dma_wait3A_151 = tpu.memref_squeeze %dma_wait3A_150 : memref<1x80xi32, #tpu.memory_space<vmem>> -> memref<80xi32, #tpu.memory_space<vmem>>
      %dma_wait3A_152 = arith.constant 0 : i32
      %dma_wait3A_153 = arith.constant 0 : i32
      %dma_wait3A_154 = tpu.memref_slice %arg14[%dma_wait3A_152, %dma_wait3A_153] : memref<10240x128xf32, #tpu.memory_space<vmem_shared>> -> memref<10240x128xf32, #tpu.memory_space<vmem_shared>>
      tpu.wait_indirect_dma semaphore(%arg22 : memref<!tpu.dma_semaphore, #tpu.memory_space<semaphore_mem>>) src(%arg13 : memref<80x128xf32, #tpu.memory_space<vmem>>) dst(%dma_wait3A_154 : memref<10240x128xf32, #tpu.memory_space<vmem_shared>>)
    }
    %scan3A_7 = arith.constant 31 : i32
    %run_scoped3A = arith.constant 124 : i32
    "tpu.region"() ({
      %run_scoped3A_26 = tpu.sem_alloc : memref<!tpu.dma_semaphore, #tpu.memory_space<semaphore_mem>>
      %dma_start3A_27 = arith.constant 0 : i32
      %dma_start3A_28 = arith.constant 0 : i32
      %dma_start3A_29 = tpu.memref_slice %arg3[%add3A, %run_scoped3A, %dma_start3A_27, %dma_start3A_28] : memref<32x125x2x80xi32, #tpu.memory_space<hbm>> -> memref<1x1x2x80xi32, #tpu.memory_space<hbm>>
      %dma_start3A_30 = tpu.memref_squeeze %dma_start3A_29 : memref<1x1x2x80xi32, #tpu.memory_space<hbm>> -> memref<2x80xi32, #tpu.memory_space<hbm>>
      %dma_start3A_31 = arith.constant 0 : i32
      %dma_start3A_32 = arith.constant 0 : i32
      %dma_start3A_33 = tpu.memref_slice %arg3[%add3A, %run_scoped3A, %dma_start3A_31, %dma_start3A_32] : memref<32x125x2x80xi32, #tpu.memory_space<hbm>> -> memref<1x1x2x80xi32, #tpu.memory_space<hbm>>
      %dma_start3A_34 = tpu.memref_squeeze %dma_start3A_33 : memref<1x1x2x80xi32, #tpu.memory_space<hbm>> -> memref<2x80xi32, #tpu.memory_space<hbm>>
      tpu.enqueue_dma source(%dma_start3A_34 : memref<2x80xi32, #tpu.memory_space<hbm>>) target(%arg6 : memref<2x80xi32, #tpu.memory_space<vmem>>) target_semaphore(%run_scoped3A_26 : memref<!tpu.dma_semaphore, #tpu.memory_space<semaphore_mem>>)
      %dma_wait3A_35 = arith.constant 0 : i32
      %dma_wait3A_36 = arith.constant 0 : i32
      %dma_wait3A_37 = tpu.memref_slice %arg3[%add3A, %run_scoped3A, %dma_wait3A_35, %dma_wait3A_36] : memref<32x125x2x80xi32, #tpu.memory_space<hbm>> -> memref<1x1x2x80xi32, #tpu.memory_space<hbm>>
      %dma_wait3A_38 = tpu.memref_squeeze %dma_wait3A_37 : memref<1x1x2x80xi32, #tpu.memory_space<hbm>> -> memref<2x80xi32, #tpu.memory_space<hbm>>
      %dma_wait3A_39 = arith.constant 0 : i32
      %dma_wait3A_40 = arith.constant 0 : i32
      %dma_wait3A_41 = tpu.memref_slice %arg3[%add3A, %run_scoped3A, %dma_wait3A_39, %dma_wait3A_40] : memref<32x125x2x80xi32, #tpu.memory_space<hbm>> -> memref<1x1x2x80xi32, #tpu.memory_space<hbm>>
      %dma_wait3A_42 = tpu.memref_squeeze %dma_wait3A_41 : memref<1x1x2x80xi32, #tpu.memory_space<hbm>> -> memref<2x80xi32, #tpu.memory_space<hbm>>
      tpu.wait_dma2 semaphore(%run_scoped3A_26 : memref<!tpu.dma_semaphore, #tpu.memory_space<semaphore_mem>>) src(%dma_wait3A_42 : memref<2x80xi32, #tpu.memory_space<hbm>>) dst(%arg6 : memref<2x80xi32, #tpu.memory_space<vmem>>)
      tpu.yield
    }) : () -> ()
    %dma_start3A = arith.constant 0 : i32
    %dma_start3A_8 = arith.constant 0 : i32
    %dma_start3A_9 = tpu.memref_slice %arg6[%dma_start3A, %dma_start3A_8] : memref<2x80xi32, #tpu.memory_space<vmem>> -> memref<1x80xi32, #tpu.memory_space<vmem>>
    %dma_start3A_10 = tpu.memref_squeeze %dma_start3A_9 : memref<1x80xi32, #tpu.memory_space<vmem>> -> memref<80xi32, #tpu.memory_space<vmem>>
    %dma_start3A_11 = arith.constant 0 : i32
    %dma_start3A_12 = arith.constant 0 : i32
    %dma_start3A_13 = tpu.memref_slice %arg2[%dma_start3A_11, %dma_start3A_12] : memref<10000x128xf32, #tpu.memory_space<hbm>> -> memref<10000x128xf32, #tpu.memory_space<hbm>>
    tpu.enqueue_indirect_dma source(%dma_start3A_13 : memref<10000x128xf32, #tpu.memory_space<hbm>>) target(%arg10 : memref<80x128xf32, #tpu.memory_space<vmem>>) offsets(%dma_start3A_10 : memref<80xi32, #tpu.memory_space<vmem>>) semaphore(%arg15 : memref<!tpu.dma_semaphore, #tpu.memory_space<semaphore_mem>>)
    %dma_wait3A = arith.constant 0 : i32
    %dma_wait3A_14 = arith.constant 0 : i32
    %dma_wait3A_15 = tpu.memref_slice %arg6[%dma_wait3A, %dma_wait3A_14] : memref<2x80xi32, #tpu.memory_space<vmem>> -> memref<1x80xi32, #tpu.memory_space<vmem>>
    %dma_wait3A_16 = tpu.memref_squeeze %dma_wait3A_15 : memref<1x80xi32, #tpu.memory_space<vmem>> -> memref<80xi32, #tpu.memory_space<vmem>>
    %dma_wait3A_17 = arith.constant 0 : i32
    %dma_wait3A_18 = arith.constant 0 : i32
    %dma_wait3A_19 = tpu.memref_slice %arg2[%dma_wait3A_17, %dma_wait3A_18] : memref<10000x128xf32, #tpu.memory_space<hbm>> -> memref<10000x128xf32, #tpu.memory_space<hbm>>
    tpu.wait_indirect_dma semaphore(%arg15 : memref<!tpu.dma_semaphore, #tpu.memory_space<semaphore_mem>>) src(%dma_wait3A_19 : memref<10000x128xf32, #tpu.memory_space<hbm>>) dst(%arg10 : memref<80x128xf32, #tpu.memory_space<vmem>>)
    %run_scoped3A_20 = arith.constant 1 : i32
    "tpu.region"() ({
      %run_scoped3A_26 = tpu.sem_alloc : memref<!tpu.dma_semaphore, #tpu.memory_space<semaphore_mem>>
      %dma_start3A_27 = arith.constant 0 : i32
      %dma_start3A_28 = tpu.memref_slice %arg6[%run_scoped3A_20, %dma_start3A_27] : memref<2x80xi32, #tpu.memory_space<vmem>> -> memref<1x80xi32, #tpu.memory_space<vmem>>
      %dma_start3A_29 = tpu.memref_squeeze %dma_start3A_28 : memref<1x80xi32, #tpu.memory_space<vmem>> -> memref<80xi32, #tpu.memory_space<vmem>>
      %dma_start3A_30 = arith.constant 0 : i32
      %dma_start3A_31 = arith.constant 0 : i32
      %dma_start3A_32 = tpu.memref_slice %arg14[%dma_start3A_30, %dma_start3A_31] : memref<10240x128xf32, #tpu.memory_space<vmem_shared>> -> memref<10240x128xf32, #tpu.memory_space<vmem_shared>>
      tpu.enqueue_indirect_dma source(%arg10 : memref<80x128xf32, #tpu.memory_space<vmem>>) target(%dma_start3A_32 : memref<10240x128xf32, #tpu.memory_space<vmem_shared>>) offsets(%dma_start3A_29 : memref<80xi32, #tpu.memory_space<vmem>>) semaphore(%run_scoped3A_26 : memref<!tpu.dma_semaphore, #tpu.memory_space<semaphore_mem>>) {add = true}
      %dma_wait3A_33 = arith.constant 0 : i32
      %dma_wait3A_34 = tpu.memref_slice %arg6[%run_scoped3A_20, %dma_wait3A_33] : memref<2x80xi32, #tpu.memory_space<vmem>> -> memref<1x80xi32, #tpu.memory_space<vmem>>
      %dma_wait3A_35 = tpu.memref_squeeze %dma_wait3A_34 : memref<1x80xi32, #tpu.memory_space<vmem>> -> memref<80xi32, #tpu.memory_space<vmem>>
      %dma_wait3A_36 = arith.constant 0 : i32
      %dma_wait3A_37 = arith.constant 0 : i32
      %dma_wait3A_38 = tpu.memref_slice %arg14[%dma_wait3A_36, %dma_wait3A_37] : memref<10240x128xf32, #tpu.memory_space<vmem_shared>> -> memref<10240x128xf32, #tpu.memory_space<vmem_shared>>
      tpu.wait_indirect_dma semaphore(%run_scoped3A_26 : memref<!tpu.dma_semaphore, #tpu.memory_space<semaphore_mem>>) src(%arg10 : memref<80x128xf32, #tpu.memory_space<vmem>>) dst(%dma_wait3A_38 : memref<10240x128xf32, #tpu.memory_space<vmem_shared>>)
      tpu.yield
    }) : () -> ()
    %barrier3A_21 = arith.constant 0 : index
    tpu.barrier barrier_id(%barrier3A_21)
    %mul3A_22 = arith.constant 640 : i32
    %mul3A_23 = arith.muli %arg1, %mul3A_22 : i32
    %mul3A_24 = arith.constant 640 : i32
    %mul3A_25 = arith.muli %arg1, %mul3A_24 : i32
    "tpu.region"() ({
      %run_scoped3A_26 = tpu.sem_alloc : memref<!tpu.dma_semaphore, #tpu.memory_space<semaphore_mem>>
      %dma_start3A_27 = arith.constant 0 : i32
      %dma_start3A_28 = tpu.memref_slice %arg5[%arg0, %mul3A_25, %dma_start3A_27] : memref<2x10240x128xf32, #tpu.memory_space<hbm>> -> memref<1x640x128xf32, #tpu.memory_space<hbm>>
      %dma_start3A_29 = tpu.memref_squeeze %dma_start3A_28 : memref<1x640x128xf32, #tpu.memory_space<hbm>> -> memref<640x128xf32, #tpu.memory_space<hbm>>
      %dma_start3A_30 = arith.constant 0 : i32
      %dma_start3A_31 = tpu.memref_slice %arg14[%mul3A_23, %dma_start3A_30] : memref<10240x128xf32, #tpu.memory_space<vmem_shared>> -> memref<640x128xf32, #tpu.memory_space<vmem_shared>>
      tpu.enqueue_dma source(%dma_start3A_31 : memref<640x128xf32, #tpu.memory_space<vmem_shared>>) target(%dma_start3A_29 : memref<640x128xf32, #tpu.memory_space<hbm>>) target_semaphore(%run_scoped3A_26 : memref<!tpu.dma_semaphore, #tpu.memory_space<semaphore_mem>>)
      %dma_wait3A_32 = arith.constant 0 : i32
      %dma_wait3A_33 = tpu.memref_slice %arg5[%arg0, %mul3A_25, %dma_wait3A_32] : memref<2x10240x128xf32, #tpu.memory_space<hbm>> -> memref<1x640x128xf32, #tpu.memory_space<hbm>>
      %dma_wait3A_34 = tpu.memref_squeeze %dma_wait3A_33 : memref<1x640x128xf32, #tpu.memory_space<hbm>> -> memref<640x128xf32, #tpu.memory_space<hbm>>
      %dma_wait3A_35 = arith.constant 0 : i32
      %dma_wait3A_36 = tpu.memref_slice %arg14[%mul3A_23, %dma_wait3A_35] : memref<10240x128xf32, #tpu.memory_space<vmem_shared>> -> memref<640x128xf32, #tpu.memory_space<vmem_shared>>
      tpu.wait_dma2 semaphore(%run_scoped3A_26 : memref<!tpu.dma_semaphore, #tpu.memory_space<semaphore_mem>>) src(%dma_wait3A_36 : memref<640x128xf32, #tpu.memory_space<vmem_shared>>) dst(%dma_wait3A_34 : memref<640x128xf32, #tpu.memory_space<hbm>>)
      tpu.yield
    }) : () -> ()
    return
  }
}

</mosaic_0001>

<sc_bundles>
// kernel: wrapper.3.cloned.1.call-start
scs
__scs_entry_jumppad:
0x0: {  	(pc) =	sbr.rel $0x88, $3  }
0x1: {  	(tag) =	ssettag $0x0;
	lr =	simm.s32 $0x1  }
0x2: {  	[smem:$0x3F9E] =	sst lr;
	_ =	strace $0xD0000000  }
0x3: {  	_ = 	snop  }
0x4: {  	_ = 	snop  }
0x5: {  	_ = 	snop  }
0x6: {  	_ = 	snop  }
0x7: {  	_ = 	snop  }
__scs_overlays_trampoline_lowered:
0x8: {  	[smem:$0x3FAD] =	sst s0  }
0x9: {  	[smem:$0x3FAE] =	sst s1  }
0xa: {  	[smem:$0x3FAF] =	sst s2  }
0xb: {  	[smem:$0x3FB0] =	sst s3  }
0xc: {  	[smem:$0x3FB1] =	sst s4  }
0xd: {  	[smem:$0x3FB2] =	sst s5  }
0xe: {  	[smem:$0x3FB3] =	sst s6  }
0xf: {  	[smem:$0x3FB4] =	sst s7  }
0x10: {  	[smem:$0x3FB5] =	sst s8  }
0x11: {  	[smem:$0x3FB6] =	sst s9;
	s0 =	simm.s32 @!p0 $0x0  }
0x12: {  	s1 =	sld [smem:$0x3F9C];
	s0 =	simm.s32 @p0 $0x1  }
0x13: {  	[smem:$0x3FB7] =	sst s0;
	s0 =	simm.s32 @!p1 $0x0  }
0x14: {  	s2 =	sld [smem:$0x3F9B];
	s0 =	simm.s32 @p1 $0x1  }
0x15: {  	[smem:$0x3FB8] =	sst s0;
	s0 =	simm.s32 @!p2 $0x0  }
0x16: {  	s3 =	sld [smem:$0x3FDB];
	s0 =	simm.s32 @p2 $0x1  }
0x17: {  	s4 =	simm.s32 $0x1BF5;
	[smem:$0x3FBA] =	sst s0  }
0x18: {  	s0 =	sld [smem:$0x3F9D];
	_ =	swait.ge [sflag:s4], $0x0  }
0x19: {  	s7 =	sld [smem:$0x3F9E]  }
0x1a: {  	s8 =	sadd.s32 $0xFFFFE003, lr  }
0x1b: {  	s9 =	sadd.s32 $0xFFFFFEF7, lr;
	s5 =	simm.s32 $0xFFFFFFFF;
	p2 =	slt.u32 s8, $0xFFFFF086  }
0x1c: {  	p1 =	slt.u32 s9, $0xF7A;
	s5 =	simm.s32 @!p2 $0x0  }
0x1d: {  	s5 =	simm.s32 @p1 $0x1;
	p0 =	seq.s32 s7, s2  }
0x1e: {  	s7 =	smul.u32 @!p0 $0xF7A, s2;
	p2 =	seq.s32 @!p0 s5, $0x0  }
0x1f: {  	s9 =	smul.u32 $0xF7A, s1;
	s8 =	simm.s32 @!p0 $0x1BF5;
	p2 =	por !p2, p0  }
0x20: {  	[sflag:s8] =	ssyncset.s32 @!p0 $0xFFFFF086;
	s6 =	sadd.s32 @!p0 s3, s7;
	s7 =	simm.s32 @!p0 $0x108  }
0x21: {  	s3 =	sadd.s32 s3, s9;
	s6 =	sadd.s32 @!p0 $0x88, s6;
	s7 =	simm.s32 @p2 $0x1082  }
0x22: {  	[simem:s7], [sflag:s8] =	dma.local @!p0 [hbm:s6], $0xF7A  }
0x23: {  	s9 =	sor.u32 $0xD0000000, s2;
	s6 =	simm.s32 $0x108;
	_ =	swait.ge @!p0 [sflag:s8], $0x0  }
0x24: {  	s3 =	sadd.s32 $0x88, s3;
	s6 =	simm.s32 @!p1 $0x1082;
	[sflag:s4] =	ssyncset.s32 $0xFFFFF086  }
0x25: {  	[simem:s6], [sflag:s4] =	dma.local [hbm:s3], $0xF7A  }
0x26: {  	[smem:$0x3F9E] =	sst s1;
	(tag) =	ssettag s2;
	_ =	strace s9  }
0x27: {  	s1 =	sld [smem:$0x3FAE]  }
0x28: {  	s2 =	sld [smem:$0x3FAF]  }
0x29: {  	s4 =	sld [smem:$0x3FB1]  }
0x2a: {  	p0 =	seq.s32 s5, $0x0;
	s5 =	sld [smem:$0x3FB2]  }
0x2b: {  	s6 =	sld [smem:$0x3FB3]  }
0x2c: {  	s7 =	sld [smem:$0x3FB4]  }
0x2d: {  	s3 =	simm.s32 $0x108;
	s8 =	sld [smem:$0x3FB5]  }
0x2e: {  	s3 =	simm.s32 @!p0 $0x1082;
	s9 =	sld [smem:$0x3FB6]  }
0x2f: {  	lr =	sadd.s32 s0, s3;
	s0 =	sld [smem:$0x3FAD]  }
0x30: {  	s3 =	sld [smem:$0x3FB0]  }
0x31: {  	[smem:$0x3FB9] =	sst s10  }
0x32: {  	s10 =	sld [smem:$0x3FB7];
	_ =	sdelay $0x3  }
0x33: {  	p0 =	seq.s32 s10, $0x1;
	s10 =	sld [smem:$0x3FB9];
	_ =	sdelay $0x3  }
0x34: {  	[smem:$0x3FB9] =	sst s10  }
0x35: {  	s10 =	sld [smem:$0x3FB8];
	_ =	sdelay $0x3  }
0x36: {  	p1 =	seq.s32 s10, $0x1;
	s10 =	sld [smem:$0x3FB9];
	_ =	sdelay $0x3  }
0x37: {  	[smem:$0x3FB9] =	sst s10  }
0x38: {  	s10 =	sld [smem:$0x3FBA]  }
0x39: {  	_ = 	snop;
	(pc) =	sbr.ind lr, $3  }
0x3a: {  	_ = 	snop  }
0x3b: {  	_ = 	snop  }
0x3c: {  	p2 =	seq.s32 s10, $0x1;
	s10 =	sld [smem:$0x3FB9]  }
0x3d: {  	_ =	shalt  }
0x3e: {  	_ =	shalt  }
0x3f: {  	_ =	shalt  }
0x40: {  	_ =	shalt  }
0x41: {  	_ =	shalt  }
0x42: {  	_ =	shalt  }
0x43: {  	_ =	shalt  }
0x44: {  	_ =	shalt  }
0x45: {  	_ =	shalt  }
0x46: {  	_ =	shalt  }
0x47: {  	_ =	shalt  }
0x48: {  	_ =	shalt  }
0x49: {  	_ =	shalt  }
0x4a: {  	_ =	shalt  }
0x4b: {  	_ =	shalt  }
0x4c: {  	_ =	shalt  }
0x4d: {  	_ =	shalt  }
0x4e: {  	_ =	shalt  }
0x4f: {  	_ =	shalt  }
0x50: {  	_ =	shalt  }
0x51: {  	_ =	shalt  }
0x52: {  	_ =	shalt  }
0x53: {  	_ =	shalt  }
0x54: {  	_ =	shalt  }
0x55: {  	_ =	shalt  }
0x56: {  	_ =	shalt  }
0x57: {  	_ =	shalt  }
0x58: {  	_ =	shalt  }
0x59: {  	_ =	shalt  }
0x5a: {  	_ =	shalt  }
0x5b: {  	_ =	shalt  }
0x5c: {  	_ =	shalt  }
0x5d: {  	_ =	shalt  }
0x5e: {  	_ =	shalt  }
0x5f: {  	_ =	shalt  }
0x60: {  	_ =	shalt  }
0x61: {  	_ =	shalt  }
0x62: {  	_ =	shalt  }
0x63: {  	_ =	shalt  }
0x64: {  	_ =	shalt  }
0x65: {  	_ =	shalt  }
0x66: {  	_ =	shalt  }
0x67: {  	_ =	shalt  }
0x68: {  	_ =	shalt  }
0x69: {  	_ =	shalt  }
0x6a: {  	_ =	shalt  }
0x6b: {  	_ =	shalt  }
0x6c: {  	_ =	shalt  }
0x6d: {  	_ =	shalt  }
0x6e: {  	_ =	shalt  }
0x6f: {  	_ =	shalt  }
0x70: {  	_ =	shalt  }
0x71: {  	_ =	shalt  }
0x72: {  	_ =	shalt  }
0x73: {  	_ =	shalt  }
0x74: {  	_ =	shalt  }
0x75: {  	_ =	shalt  }
0x76: {  	_ =	shalt  }
0x77: {  	_ =	shalt  }
0x78: {  	_ =	shalt  }
0x79: {  	_ =	shalt  }
0x7a: {  	_ =	shalt  }
0x7b: {  	_ =	shalt  }
0x7c: {  	_ =	shalt  }
0x7d: {  	_ =	shalt  }
0x7e: {  	_ =	shalt  }
0x7f: {  	_ =	shalt  }
0x80: {  	_ =	shalt  }
0x81: {  	_ =	shalt  }
0x82: {  	_ =	shalt  }
0x83: {  	_ =	shalt  }
0x84: {  	_ =	shalt  }
0x85: {  	_ =	shalt  }
0x86: {  	_ =	shalt  }
0x87: {  	_ =	shalt  }
.Lfunc_end0:
.L_simem_size_0:
called_computation_lowered:
.L_overlay_start_0:
0x88: {  	s2 =	sld [smem:$0x3FD9]  }
0x89: {  	s3 =	sld [smem:$0x3FFE];
	_ =	sdelay $0x1  }
0x8a: {  	s1 =	srdreg.scid  }
0x8b: {  	s0 =	sand.u32 $0x1, s1  }
0x8c: {  	s17 =	sshll.u32 s0, $0xA;
	s2 =	sadd.s32 s3, s2  }
0x8d: {  	s2 =	sadd.s32 s2, s17  }
0x8e: {  	[smem:$0x3FC5] =	sst s2  }
0x8f: {  	_ = 	snop  }
0x90: {  	s2 =	sld [smem:$0x3FC9]  }
0x91: {  	s18 =	sld [smem:$0x3FC7]  }
0x92: {  	s4 =	sld [smem:$0x3FD0];
	(tm) =	ssettm $0x1  }
0x93: {  	s5 =	sld [smem:$0x3FFB];
	_ =	sdelay $0x3  }
0x94: {  	_ =	strace s5  }
0x95: {  	s5 =	sld [smem:$0x3FFC];
	_ =	sdelay $0x3  }
0x96: {  	_ =	strace s5  }
0x97: {  	s5 =	sld [smem:$0x3FFD];
	_ =	sdelay $0x3  }
0x98: {  	_ =	strace s5  }
0x99: {  	_ =	strace $0x8FFFFFFF  }
0x9a: {  	s19 =	sld [smem:$0x3FDB];
	_ =	sdelay $0x1  }
0x9b: {  	s6 =	simm.s32 $_scs_section_size  }
0x9c: {  	s7 =	simm.s32 $_size__tile_overlayer_lowered;
	s8 =	simm.s32 $_tile_overlayer_lowered  }
0x9d: {  	s22 =	simm.s32 $0x1BFF;
	s21 =	sshll.u32 s8, $0x1;
	s5 =	sadd.s32 s6, s19  }
0x9e: {  	s9 =	simm.s32 $0x0;
	s20 =	sshll.u32 s7, $0x1;
	s7 =	sadd.s32 s21, s5  }
0x9f: {  	[timem:s9], [sflag:s22] =	dma.local [hbm:s7], s20  }
0xa0: {  	_ =	swait.ge [sflag:s22], s20  }
0xa1: {  	s6 =	ssub.s32 $0x0, s20;
	[sflag:s22] =	ssyncset.done $0x0  }
0xa2: {  	[sflag:s22] =	ssyncadd.s32 s6;
	_ =	sdelay $0x1  }
0xa3: {  	s23 =	simm.s32 $0x1B8B  }
0xa4: {  	_ =	swait.ge [sflag:s23], $0x1  }
0xa5: {  	[sflag:s23] =	ssyncset.done $0x0  }
0xa6: {  	s25 =	simm.s32 $0x1B8E;
	s24 =	sld [smem:$0x3FFE];
	[sflag:s23] =	ssyncadd.s32 $0xFFFFFFFF  }
0xa7: {  	s26 =	simm.s32 $execute0_lowered;
	[smem:$0x3FD2] =	sst s25  }
0xa8: {  	s7 =	sshll.u32 s26, $0x1;
	_ =	strace $0x80000046;
	[dreg:$0x1] =	wrdreg $0xFFFFFFFF  }
0xa9: {  	s28 =	simm.s32 $_size_execute0_lowered;
	s5 =	sadd.s32 s5, s7;
	[dreg:$0x0] =	wrdreg $0x0  }
0xaa: {  	s7 =	sshll.u32 s28, $0x1;
	[dreg:$0x2] =	wrdreg s5  }
0xab: {  	[dreg:$0x3] =	wrdreg s7  }
0xac: {  	[dreg:$0x4] =	wrdreg $0xC0  }
0xad: {  	_ =	task [dreg:s9], $0x5FFFF  }
0xae: {  	[dreg:$0x1] =	wrdreg $0xFFFFFFFF  }
0xaf: {  	[dreg:$0x0] =	wrdreg $0x60  }
0xb0: {  	[dreg:$0x2] =	wrdreg s2  }
0xb1: {  	[dreg:$0x3] =	wrdreg s24  }
0xb2: {  	[dreg:$0x4] =	wrdreg s18  }
0xb3: {  	[dreg:$0x5] =	wrdreg s4  }
0xb4: {  	[dreg:$0x6] =	wrdreg $0xA4000  }
0xb5: {  	[dreg:$0x7] =	wrdreg $0x9  }
0xb6: {  	_ =	task.clear_ibuf [dreg:s9], $0x8FFFF;
	_ =	strace $0x90000046  }
0xb7: {  	s29 =	simm.s32 $0x9;
	_ =	strace $0x80000048  }
0xb8: {  	_ =	swait.ge [sflag:s29], $0x1  }
0xb9: {  	[sflag:s29] =	ssyncadd.s32 $0xFFFFFFFF  }
0xba: {  	_ =	strace $0x90000048  }
0xbb: {  	_ =	sfence  }
0xbc: {  	s30 =	sld [smem:$0x0];
	_ =	sdelay $0x2  }
0xbd: {  	s31 =	sshll.u32 s1, $0xD;
	s1 =	sshrl.u32 s1, $0x2  }
0xbe: {  	s3 =	sand.u32 $0x4000, s31;
	s1 =	sadd.s32 s1, s30  }
0xbf: {  	s0 =	sor.u32 s3, s0;
	s1 =	sshll.u32 s1, $0x11  }
0xc0: {  	s0 =	sor.u32 s1, s0  }
0xc1: {  	s0 =	sadd.s32 $0x8F2B, s0  }
0xc2: {  	[sflag:s0] =	ssyncadd.remote.s32 $0x1  }
0xc3: {  	_ =	sfence.sel $0xFFFF  }
0xc4: {  	[dreg:$0x0] =	wrdreg $0xFFFFFFFF;
	(pc) =	sbr.abs _section_cstart, $3  }
0xc5: {  	[dreg:$0x1] =	wrdreg $0xFFFFFFFF  }
0xc6: {  	_ =	task.clear_ibuf [dreg:s9], $0x2FFFF;
	_ =	strace $0x9FFFFFFF  }
0xc7: {  	(tm) =	ssettm $0x7FFFFFFF  }
tec
execute0_lowered:
.L_overlay_start_1:
0x0: {  	(tag) =	ssettag $0x1  }
0x1: {  	s1 =	rddreg [dreg:$0x0]  }
0x2: {  	s0 =	rddreg [dreg:$0x1]  }
0x3: {  	s2 =	rddreg [dreg:$0x3]  }
0x4: {  	s4 =	rddreg [dreg:$0x4];
	s3 =	srdreg.scid  }
0x5: {  	s13 =	stileid.u32;
	s5 =	simm.s32 $0x0;
	s14 =	simm.s32 $0x400  }
0x6: {  	s15 =	simm.s32 $0x100;
	s16 =	simm.s32 $0x2C00;
	s17 =	simm.s32 $0x200  }
0x7: {  	s28 =	simm.s32 $0x4;
	s29 =	simm.s32 $0x380;
	s30 =	simm.s32 $0x5  }
0x8: {  	s31 =	simm.s32 $0x6;
	s3 =	sand.u32 $0x1, s3;
	s7 =	smul.u32 $0x50000, s13  }
0x9: {  	s6 =	sshll.u32 s13, $0x1;
	[smem:$0x7FF] =	sst s5;
	s11 =	smul.u32 $0xFA00, s13  }
0xa: {  	s0 =	sadd.s32 $0x400, s0;
	s18 =	sshll.u32 s13, $0x6;
	s13 =	smul.u32 $0x14000, s13  }
0xb: {  	s6 =	sor.u32 s3, s6;
	_ =	strace $0x80000047;
	s9 =	smul.u32 $0x140000, s3  }
0xc: {  	s8 =	ssub.s32 $0x2, s3;
	s3 =	smul.u32 $0x7D00, s3;
	s19 =	sor.u32 $0x1C09, s18  }
0xd: {  	s18 =	simm.s32 $0x5400;
	s10 =	sshrl.u32 s8, $0x1;
	s7 =	sshrl.u32 s7, $0x2  }
0xe: {  	s6 =	smul.u32 $0x7D00, s6;
	s8 =	ssub.s32 s8, s10;
	s7 =	sadd.s32 s7, s4  }
0xf: {  	s3 =	sadd.s32 s3, s11;
	s9 =	sadd.s32 s13, s9;
	s13 =	simm.s32 $0x50  }
0x10: {  	s12 =	sshrl.u32 s6, $0x3;
	s21 =	sadd.s32 $0x300, s3;
	s9 =	sshrl.u32 s9, $0x3  }
0x11: {  	s11 =	sadd.s32 $0x200, s3;
	s22 =	sadd.s32 $0x100, s3;
	s8 =	smax.u32 s8, $0x1  }
0x12: {  	s26 =	sshrl.u32 s3, $0x3;
	s3 =	simm.s32 $0x8;
	s20 =	sadd.s32 s0, s12  }
0x13: {  	s11 =	sshrl.u32 s11, $0x3;
	s24 =	sshrl.u32 s22, $0x3;
	s2 =	sadd.s32 s2, s9  }
0x14: {  	[dreg:$0xc] =	wrdreg s8;
	s8 =	sshrl.u32 s7, $0x3;
	s7 =	smov.u32 s19  }
0x15: {  	s12 =	simm.s32 $0x9;
	s19 =	simm.s32 $0x300;
	[dreg:$0xb] =	wrdreg s2  }
0x16: {  	s22 =	simm.s32 $0x80;
	s10 =	sadd.s32 $0xF80, s20;
	[dreg:$0x9] =	wrdreg s7  }
0x17: {  	s23 =	sadd.s32 s11, s0;
	s25 =	sadd.s32 s24, s0;
	[dreg:$0xd] =	wrdreg s8  }
0x18: {  	s20 =	simm.s32 $0x7C00;
	s24 =	simm.s32 $0x180;
	[dreg:$0xa] =	wrdreg s10  }
0x19: {  	s2 =	simm.s32 $0x0;
	s10 =	sshrl.u32 s21, $0x3;
	[dreg:$0x7] =	wrdreg s23  }
0x1a: {  	[dreg:$0x8] =	wrdreg s25;
	s21 =	simm.s32 $0x1;
	s10 =	sadd.s32 s10, s0  }
0x1b: {  	s23 =	simm.s32 $0x2;
	s25 =	simm.s32 $0x3;
	[dreg:$0x6] =	wrdreg s10  }
0x1c: {  	s10 =	sadd.s32 s26, s0;
	s26 =	simm.s32 $0x280;
	s0 =	simm.s32 $0x7  }
.LBB2_1:
0x1d: {  	s6 =	rddreg [dreg:$0x2]  }
0x1e: {  	[spmem:s8], [sflag:s7] =	dma.local [hbm:s6], $0x2800  }
0x1f: {  	_ =	swait.ge [sflag:s12], $0x2800  }
0x20: {  	[sflag:s12] =	ssyncset.done $0x0  }
0x21: {  	[sflag:s12] =	ssyncadd.s32 $0xFFFFD800  }
0x22: {  	s6 =	sadd.s32 $0x0, s10;
	[bflag:$0x0] =	sbarrier.arrive $0xFFFF  }
0x23: {  	[tilespmem:s5], [sflag:$0x9] =	stream.linear.gather [hbm4b:s6+s5], $0x100, $0x38;
	[tilespmem:$0x1E400] =	vst v63  }
0x24: {  	_ =	swait.ge [sflag:s12], $0x100  }
0x25: {  	[sflag:s12] =	ssyncset.done $0x0  }
0x26: {  	s8 =	rddreg [dreg:$0x8];
	[sflag:s12] =	ssyncadd.s32 $0xFFFFFF00  }
0x27: {  	[tilespmem:s14], [sflag:$0x1] =	stream.indirect.gather [hbm4b:s1+s13], $0x80, s5, s13, $0xb8;
	[tilespmem:$0x1E400] =	vst v63  }
0x28: {  	s7 =	sadd.s32 $0x0, s8  }
0x29: {  	[tilespmem:s15], [sflag:$0x9] =	stream.linear.gather [hbm4b:s7+s5], $0x100, $0x38;
	[tilespmem:$0x1E400] =	vst v63  }
0x2a: {  	_ =	swait.ge [sflag:s12], $0x100  }
0x2b: {  	[sflag:s12] =	ssyncset.done $0x0  }
0x2c: {  	s9 =	rddreg [dreg:$0x7];
	[sflag:s12] =	ssyncadd.s32 $0xFFFFFF00  }
0x2d: {  	[tilespmem:s16], [sflag:$0x2] =	stream.indirect.gather [hbm4b:s1+s13], $0x80, s15, s13, $0xb8;
	[tilespmem:$0x1E400] =	vst v63  }
0x2e: {  	s7 =	sadd.s32 $0x0, s9  }
0x2f: {  	[tilespmem:s17], [sflag:$0x9] =	stream.linear.gather [hbm4b:s7+s5], $0x100, $0x38;
	[tilespmem:$0x1E400] =	vst v63  }
0x30: {  	_ =	swait.ge [sflag:s12], $0x100  }
0x31: {  	[sflag:s12] =	ssyncset.done $0x0  }
0x32: {  	s11 =	rddreg [dreg:$0x6];
	[sflag:s12] =	ssyncadd.s32 $0xFFFFFF00  }
0x33: {  	[tilespmem:s18], [sflag:$0x3] =	stream.indirect.gather [hbm4b:s1+s13], $0x80, s17, s13, $0xb8;
	[tilespmem:$0x1E400] =	vst v63  }
0x34: {  	s7 =	sadd.s32 $0x0, s11  }
0x35: {  	[tilespmem:s19], [sflag:$0x9] =	stream.linear.gather [hbm4b:s7+s5], $0x100, $0x38;
	[tilespmem:$0x1E400] =	vst v63  }
0x36: {  	_ =	swait.ge [sflag:s12], $0x100  }
0x37: {  	[sflag:s12] =	ssyncset.done $0x0  }
0x38: {  	[sflag:s12] =	ssyncadd.s32 $0xFFFFFF00  }
0x39: {  	[tilespmem:s20], [sflag:$0x4] =	stream.indirect.gather [hbm4b:s1+s13], $0x80, s19, s13, $0xb8;
	[tilespmem:$0x1E400] =	vst v63  }
0x3a: {  	_ =	swait.ge [sflag:s21], $0x2800  }
0x3b: {  	[sflag:s21] =	ssyncset.done $0x0  }
0x3c: {  	[sflag:s21] =	ssyncadd.s32 $0xFFFFD800  }
0x3d: {  	[spmem:s4] =	stream.indirect.scatter.add.f32 [tilespmem:s14], [sflag:$0x5], $0x80, s22, s13, $0xb8;
	[tilespmem:$0x1E400] =	vst v63  }
0x3e: {  	_ =	swait.ge [sflag:s23], $0x2800  }
0x3f: {  	[sflag:s23] =	ssyncset.done $0x0  }
0x40: {  	[sflag:s23] =	ssyncadd.s32 $0xFFFFD800  }
0x41: {  	[spmem:s4] =	stream.indirect.scatter.add.f32 [tilespmem:s16], [sflag:$0x6], $0x80, s24, s13, $0xb8;
	[tilespmem:$0x1E400] =	vst v63  }
0x42: {  	_ =	swait.ge [sflag:s25], $0x2800  }
0x43: {  	[sflag:s25] =	ssyncset.done $0x0  }
0x44: {  	[sflag:s25] =	ssyncadd.s32 $0xFFFFD800  }
0x45: {  	[spmem:s4] =	stream.indirect.scatter.add.f32 [tilespmem:s18], [sflag:$0x7], $0x80, s26, s13, $0xb8;
	[tilespmem:$0x1E400] =	vst v63  }
0x46: {  	_ =	swait.ge [sflag:s28], $0x2800  }
0x47: {  	[sflag:s28] =	ssyncset.done $0x0  }
0x48: {  	[sflag:s28] =	ssyncadd.s32 $0xFFFFD800  }
0x49: {  	[spmem:s4] =	stream.indirect.scatter.add.f32 [tilespmem:s20], [sflag:$0x8], $0x80, s29, s13, $0xb8;
	[tilespmem:$0x1E400] =	vst v63  }
0x4a: {  	_ =	swait.ge [sflag:s30], $0x2800  }
0x4b: {  	[sflag:s30] =	ssyncset.done $0x0  }
0x4c: {  	[sflag:s30] =	ssyncadd.s32 $0xFFFFD800  }
0x4d: {  	_ =	swait.ge [sflag:s31], $0x2800  }
0x4e: {  	[sflag:s31] =	ssyncset.done $0x0  }
0x4f: {  	[sflag:s31] =	ssyncadd.s32 $0xFFFFD800  }
0x50: {  	_ =	swait.ge [sflag:s0], $0x2800  }
0x51: {  	[sflag:s0] =	ssyncset.done $0x0  }
0x52: {  	[sflag:s0] =	ssyncadd.s32 $0xFFFFD800  }
0x53: {  	_ =	swait.ge [sflag:s3], $0x2800  }
0x54: {  	s8 =	simm.s32 $0x100;
	s7 =	simm.s32 $0x80;
	[sflag:s3] =	ssyncset.done $0x0  }
.LBB2_2:
0x55: {  	s6 =	sadd.s32 s7, s10;
	[sflag:s3] =	ssyncadd.s32 $0xFFFFD800  }
0x56: {  	[tilespmem:s5], [sflag:$0x9] =	stream.linear.gather [hbm4b:s6+s5], $0x100, $0x38;
	[tilespmem:$0x1E400] =	vst v63  }
0x57: {  	_ =	swait.ge [sflag:s12], $0x100  }
0x58: {  	s11 =	smov.u32 s8;
	s9 =	sadd.s32 $0x80, s8;
	[sflag:s12] =	ssyncset.done $0x0  }
0x59: {  	p0 =	sne.s32 s8, $0xF00;
	s8 =	rddreg [dreg:$0x8];
	[sflag:s12] =	ssyncadd.s32 $0xFFFFFF00  }
0x5a: {  	[tilespmem:s14], [sflag:$0x1] =	stream.indirect.gather [hbm4b:s1+s13], $0x80, s5, s13, $0xb8;
	[tilespmem:$0x1E400] =	vst v63  }
0x5b: {  	s6 =	sadd.s32 s7, s8  }
0x5c: {  	[tilespmem:s15], [sflag:$0x9] =	stream.linear.gather [hbm4b:s6+s5], $0x100, $0x38;
	[tilespmem:$0x1E400] =	vst v63  }
0x5d: {  	_ =	swait.ge [sflag:s12], $0x100  }
0x5e: {  	[sflag:s12] =	ssyncset.done $0x0  }
0x5f: {  	s8 =	rddreg [dreg:$0x7];
	[sflag:s12] =	ssyncadd.s32 $0xFFFFFF00  }
0x60: {  	[tilespmem:s16], [sflag:$0x2] =	stream.indirect.gather [hbm4b:s1+s13], $0x80, s15, s13, $0xb8;
	[tilespmem:$0x1E400] =	vst v63  }
0x61: {  	s6 =	sadd.s32 s7, s8  }
0x62: {  	[tilespmem:s17], [sflag:$0x9] =	stream.linear.gather [hbm4b:s6+s5], $0x100, $0x38;
	[tilespmem:$0x1E400] =	vst v63  }
0x63: {  	_ =	swait.ge [sflag:s12], $0x100  }
0x64: {  	[sflag:s12] =	ssyncset.done $0x0  }
0x65: {  	s8 =	rddreg [dreg:$0x6];
	[sflag:s12] =	ssyncadd.s32 $0xFFFFFF00  }
0x66: {  	[tilespmem:s18], [sflag:$0x3] =	stream.indirect.gather [hbm4b:s1+s13], $0x80, s17, s13, $0xb8;
	[tilespmem:$0x1E400] =	vst v63  }
0x67: {  	s6 =	sadd.s32 s7, s8  }
0x68: {  	[tilespmem:s19], [sflag:$0x9] =	stream.linear.gather [hbm4b:s6+s5], $0x100, $0x38;
	[tilespmem:$0x1E400] =	vst v63  }
0x69: {  	_ =	swait.ge [sflag:s12], $0x100  }
0x6a: {  	[sflag:s12] =	ssyncset.done $0x0  }
0x6b: {  	[sflag:s12] =	ssyncadd.s32 $0xFFFFFF00  }
0x6c: {  	[tilespmem:s20], [sflag:$0x4] =	stream.indirect.gather [hbm4b:s1+s13], $0x80, s19, s13, $0xb8;
	[tilespmem:$0x1E400] =	vst v63  }
0x6d: {  	_ =	swait.ge [sflag:s21], $0x2800  }
0x6e: {  	[sflag:s21] =	ssyncset.done $0x0  }
0x6f: {  	[sflag:s21] =	ssyncadd.s32 $0xFFFFD800  }
0x70: {  	[spmem:s4] =	stream.indirect.scatter.add.f32 [tilespmem:s14], [sflag:$0x5], $0x80, s22, s13, $0xb8;
	[tilespmem:$0x1E400] =	vst v63  }
0x71: {  	_ =	swait.ge [sflag:s23], $0x2800  }
0x72: {  	[sflag:s23] =	ssyncset.done $0x0  }
0x73: {  	[sflag:s23] =	ssyncadd.s32 $0xFFFFD800  }
0x74: {  	[spmem:s4] =	stream.indirect.scatter.add.f32 [tilespmem:s16], [sflag:$0x6], $0x80, s24, s13, $0xb8;
	[tilespmem:$0x1E400] =	vst v63  }
0x75: {  	_ =	swait.ge [sflag:s25], $0x2800  }
0x76: {  	[sflag:s25] =	ssyncset.done $0x0  }
0x77: {  	[sflag:s25] =	ssyncadd.s32 $0xFFFFD800  }
0x78: {  	[spmem:s4] =	stream.indirect.scatter.add.f32 [tilespmem:s18], [sflag:$0x7], $0x80, s26, s13, $0xb8;
	[tilespmem:$0x1E400] =	vst v63  }
0x79: {  	_ =	swait.ge [sflag:s28], $0x2800  }
0x7a: {  	[sflag:s28] =	ssyncset.done $0x0  }
0x7b: {  	[sflag:s28] =	ssyncadd.s32 $0xFFFFD800  }
0x7c: {  	[spmem:s4] =	stream.indirect.scatter.add.f32 [tilespmem:s20], [sflag:$0x8], $0x80, s29, s13, $0xb8;
	[tilespmem:$0x1E400] =	vst v63  }
0x7d: {  	_ =	swait.ge [sflag:s30], $0x2800  }
0x7e: {  	[sflag:s30] =	ssyncset.done $0x0  }
0x7f: {  	[sflag:s30] =	ssyncadd.s32 $0xFFFFD800  }
0x80: {  	_ =	swait.ge [sflag:s31], $0x2800  }
0x81: {  	[sflag:s31] =	ssyncset.done $0x0  }
0x82: {  	[sflag:s31] =	ssyncadd.s32 $0xFFFFD800  }
.Ltmp0:
0x83: {  	_ =	swait.ge [sflag:s0], $0x2800;
	(pc) =	sbr.rel @p0 .LBB2_2-.Ltmp0, $4  }
0x84: {  	[sflag:s0] =	ssyncset.done $0x0  }
0x85: {  	[sflag:s0] =	ssyncadd.s32 $0xFFFFD800  }
0x86: {  	_ =	swait.ge [sflag:s3], $0x2800  }
0x87: {  	s7 =	smov.u32 s11;
	s8 =	smov.u32 s9;
	[sflag:s3] =	ssyncset.done $0x0  }
0x88: {  	s6 =	sadd.s32 s7, s10;
	[sflag:s3] =	ssyncadd.s32 $0xFFFFD800  }
0x89: {  	[tilespmem:s5], [sflag:$0x9] =	stream.linear.gather [hbm4b:s6+s5], $0x100, $0x38;
	[tilespmem:$0x1E400] =	vst v63  }
0x8a: {  	_ =	swait.ge [sflag:s12], $0x100  }
0x8b: {  	[sflag:s12] =	ssyncset.done $0x0  }
0x8c: {  	s8 =	rddreg [dreg:$0x8];
	[sflag:s12] =	ssyncadd.s32 $0xFFFFFF00  }
0x8d: {  	[tilespmem:s14], [sflag:$0x1] =	stream.indirect.gather [hbm4b:s1+s13], $0x80, s5, s13, $0xb8;
	[tilespmem:$0x1E400] =	vst v63  }
0x8e: {  	s6 =	sadd.s32 s7, s8  }
0x8f: {  	[tilespmem:s15], [sflag:$0x9] =	stream.linear.gather [hbm4b:s6+s5], $0x100, $0x38;
	[tilespmem:$0x1E400] =	vst v63  }
0x90: {  	_ =	swait.ge [sflag:s12], $0x100  }
0x91: {  	[sflag:s12] =	ssyncset.done $0x0  }
0x92: {  	s9 =	rddreg [dreg:$0x7];
	[sflag:s12] =	ssyncadd.s32 $0xFFFFFF00  }
0x93: {  	[tilespmem:s16], [sflag:$0x2] =	stream.indirect.gather [hbm4b:s1+s13], $0x80, s15, s13, $0xb8;
	[tilespmem:$0x1E400] =	vst v63  }
0x94: {  	s6 =	sadd.s32 s7, s9  }
0x95: {  	[tilespmem:s17], [sflag:$0x9] =	stream.linear.gather [hbm4b:s6+s5], $0x100, $0x38;
	[tilespmem:$0x1E400] =	vst v63  }
0x96: {  	_ =	swait.ge [sflag:s12], $0x100  }
0x97: {  	[sflag:s12] =	ssyncset.done $0x0  }
0x98: {  	s11 =	rddreg [dreg:$0x6];
	[sflag:s12] =	ssyncadd.s32 $0xFFFFFF00  }
0x99: {  	[tilespmem:s18], [sflag:$0x3] =	stream.indirect.gather [hbm4b:s1+s13], $0x80, s17, s13, $0xb8;
	[tilespmem:$0x1E400] =	vst v63  }
0x9a: {  	s6 =	sadd.s32 s7, s11  }
0x9b: {  	[tilespmem:s19], [sflag:$0x9] =	stream.linear.gather [hbm4b:s6+s5], $0x100, $0x38;
	[tilespmem:$0x1E400] =	vst v63  }
0x9c: {  	_ =	swait.ge [sflag:s12], $0x100  }
0x9d: {  	[sflag:s12] =	ssyncset.done $0x0  }
0x9e: {  	[sflag:s12] =	ssyncadd.s32 $0xFFFFFF00  }
0x9f: {  	[tilespmem:s20], [sflag:$0x4] =	stream.indirect.gather [hbm4b:s1+s13], $0x80, s19, s13, $0xb8;
	[tilespmem:$0x1E400] =	vst v63  }
0xa0: {  	_ =	swait.ge [sflag:s21], $0x2800  }
0xa1: {  	[sflag:s21] =	ssyncset.done $0x0  }
0xa2: {  	[sflag:s21] =	ssyncadd.s32 $0xFFFFD800  }
0xa3: {  	[spmem:s4] =	stream.indirect.scatter.add.f32 [tilespmem:s14], [sflag:$0x5], $0x80, s22, s13, $0xb8;
	[tilespmem:$0x1E400] =	vst v63  }
0xa4: {  	_ =	swait.ge [sflag:s23], $0x2800  }
0xa5: {  	[sflag:s23] =	ssyncset.done $0x0  }
0xa6: {  	[sflag:s23] =	ssyncadd.s32 $0xFFFFD800  }
0xa7: {  	[spmem:s4] =	stream.indirect.scatter.add.f32 [tilespmem:s16], [sflag:$0x6], $0x80, s24, s13, $0xb8;
	[tilespmem:$0x1E400] =	vst v63  }
0xa8: {  	_ =	swait.ge [sflag:s25], $0x2800  }
0xa9: {  	[sflag:s25] =	ssyncset.done $0x0  }
0xaa: {  	[sflag:s25] =	ssyncadd.s32 $0xFFFFD800  }
0xab: {  	[spmem:s4] =	stream.indirect.scatter.add.f32 [tilespmem:s18], [sflag:$0x7], $0x80, s26, s13, $0xb8;
	[tilespmem:$0x1E400] =	vst v63  }
0xac: {  	_ =	swait.ge [sflag:s28], $0x2800  }
0xad: {  	[sflag:s28] =	ssyncset.done $0x0  }
0xae: {  	[sflag:s28] =	ssyncadd.s32 $0xFFFFD800  }
0xaf: {  	[spmem:s4] =	stream.indirect.scatter.add.f32 [tilespmem:s20], [sflag:$0x8], $0x80, s29, s13, $0xb8;
	[tilespmem:$0x1E400] =	vst v63  }
0xb0: {  	_ =	swait.ge [sflag:s30], $0x2800  }
0xb1: {  	[sflag:s30] =	ssyncset.done $0x0  }
0xb2: {  	[sflag:s30] =	ssyncadd.s32 $0xFFFFD800  }
0xb3: {  	_ =	swait.ge [sflag:s31], $0x2800  }
0xb4: {  	[sflag:s31] =	ssyncset.done $0x0  }
0xb5: {  	[sflag:s31] =	ssyncadd.s32 $0xFFFFD800  }
0xb6: {  	_ =	swait.ge [sflag:s0], $0x2800  }
0xb7: {  	[sflag:s0] =	ssyncset.done $0x0  }
0xb8: {  	[sflag:s0] =	ssyncadd.s32 $0xFFFFD800  }
0xb9: {  	_ =	swait.ge [sflag:s3], $0x2800  }
0xba: {  	[sflag:s3] =	ssyncset.done $0x0  }
0xbb: {  	s8 =	rddreg [dreg:$0xa];
	[sflag:s3] =	ssyncadd.s32 $0xFFFFD800  }
0xbc: {  	[tilespmem:s5], [sflag:$0x9] =	stream.linear.gather [hbm4b:s8+s5], $0x100, $0x38;
	[tilespmem:$0x1E400] =	vst v63  }
0xbd: {  	_ =	swait.ge [sflag:s12], $0x100  }
0xbe: {  	[sflag:s12] =	ssyncset.done $0x0  }
0xbf: {  	[sflag:s12] =	ssyncadd.s32 $0xFFFFFF00  }
0xc0: {  	[tilespmem:s14], [sflag:$0x1] =	stream.indirect.gather [hbm4b:s1+s13], $0x80, s5, s13, $0xb8;
	[tilespmem:$0x1E400] =	vst v63  }
0xc1: {  	_ =	swait.ge [sflag:s21], $0x2800  }
0xc2: {  	[sflag:s21] =	ssyncset.done $0x0  }
0xc3: {  	[sflag:s21] =	ssyncadd.s32 $0xFFFFD800  }
0xc4: {  	[spmem:s4] =	stream.indirect.scatter.add.f32 [tilespmem:s14], [sflag:$0x9], $0x80, s22, s13, $0xb8;
	[tilespmem:$0x1E400] =	vst v63  }
0xc5: {  	_ =	swait.ge [sflag:s12], $0x2800  }
0xc6: {  	[sflag:s12] =	ssyncset.done $0x0  }
0xc7: {  	[sflag:s12] =	ssyncadd.s32 $0xFFFFD800  }
0xc8: {  	[bflag:$0x0] =	sbarrier.arrive $0xFFFF  }
0xc9: {  	s7 =	rddreg [dreg:$0x9]  }
0xca: {  	s9 =	rddreg [dreg:$0xb]  }
0xcb: {  	s8 =	rddreg [dreg:$0xd]  }
0xcc: {  	[hbm:s9], [sflag:s7] =	dma.local [spmem:s8], $0x2800  }
0xcd: {  	_ =	swait.ge [sflag:s12], $0x2800  }
0xce: {  	s2 =	sadd.s32 $0x1, s2;
	s11 =	rddreg [dreg:$0xc]  }
0xcf: {  	p0 =	sne.s32 s2, s11  }
.Ltmp1:
0xd0: {  	_ = 	snop;
	(pc) =	sbr.rel @p0 .LBB2_1-.Ltmp1, $3  }
0xd1: {  	_ =	sdelay $0x1  }
0xd2: {  	[sflag:s12] =	ssyncset.done $0x0  }
0xd3: {  	[sflag:s12] =	ssyncadd.s32 $0xFFFFD800  }
0xd4: {  	_ =	sfence.sel $0x180000  }
0xd5: {  	[bflag:$0x0] =	sbarrier.arrive $0xFFFF  }
0xd6: {  	_ =	strace $0x90000047  }
0xd7: {  	s0 =	stileid.u32;
	[bflag:$0x2] =	sbarrier.arrive $0xFFFF  }
0xd8: {  	p0 =	sne.s32 s0, $0x0;
	s0 =	rddreg [dreg:$0x5]  }
0xd9: {  	s0 =	sadd.s32 @!p0 $0x100000, s0  }
0xda: {  	[sflag:s0] =	ssyncadd.tile.s32 @!p0 $0x1;
	_ =	shalt  }
.Lfunc_end2:
_tile_overlayer_lowered:
.L_overlay_start_2:
0xdb: {  	(tag) =	ssettag $0x2  }
0xdc: {  	s0 =	rddreg [dreg:$0x0];
	s2 =	stileid.u32  }
0xdd: {  	s1 =	rddreg [dreg:$0x1];
	p0 =	sne.s32 s2, $0x0  }
0xde: {  	s3 =	rddreg [dreg:$0x2];
	[bflag:$0x3] =	sbarrier.arrive $0xFFFF;
	s2 =	simm.s32 @!p0 $0x1C09  }
0xdf: {  	[timem:s3], [sflag:s2] =	dma.local @!p0 [hbm:s0], s1  }
0xe0: {  	s0 =	simm.s32 @!p0 $0x9  }
0xe1: {  	_ =	swait.ge @!p0 [sflag:s0], s1  }
0xe2: {  	s1 =	ssub.s32 @!p0 $0x0, s1;
	[sflag:s0] =	ssyncset.done @!p0 $0x0  }
0xe3: {  	[sflag:s0] =	ssyncadd.s32 @!p0 s1  }
0xe4: {  	[bflag:$0x3] =	sbarrier.arrive $0xFFFF  }
0xe5: {  	_ =	shalt  }

</sc_bundles>
